<compile_context>
chip_gen: v7x
topology: tpu7x:2x2x1
jax: 0.10.2.dev20260603
libtpu: 0.0.44.dev20260713+nightly
codegen_flags: <defaults>
</compile_context>

<pallas_src>
import functools

import jax
import jax.numpy as jnp
from jax import lax
from jax.experimental import pallas as pl
from jax.experimental.pallas import tpu as pltpu
from jax.experimental.pallas import tpu_sc as plsc

B, N, M, K, C = 8, 4096, 512, 32, 128
R2 = 0.2 ** 2
P = B * M * K
BN_N = float(P)
EPS = 1e-5
C3 = 256


def _fps_body(xt_ref, nxt_ref):
    x = xt_ref[0]
    y = xt_ref[1]
    z = xt_ref[2]
    lanes_n = lax.broadcasted_iota(jnp.int32, (B, N), 1)
    lanes_m = lax.broadcasted_iota(jnp.int32, (B, M), 1)

    def body(i, carry):
        dist, far, ax, ay, az = carry
        sel = lanes_n == far
        cx = jnp.sum(jnp.where(sel, x, 0.0), axis=1, keepdims=True)
        cy = jnp.sum(jnp.where(sel, y, 0.0), axis=1, keepdims=True)
        cz = jnp.sum(jnp.where(sel, z, 0.0), axis=1, keepdims=True)
        put = lanes_m == i
        ax = jnp.where(put, cx, ax)
        ay = jnp.where(put, cy, ay)
        az = jnp.where(put, cz, az)
        d = (x - cx) ** 2 + (y - cy) ** 2 + (z - cz) ** 2
        dist = jnp.minimum(dist, d)
        mx = jnp.max(dist, axis=1, keepdims=True)
        far = jnp.min(jnp.where(dist == mx, lanes_n, N), axis=1, keepdims=True)
        return dist, far, ax, ay, az

    dist0 = jnp.full((B, N), 1e10, jnp.float32)
    far0 = jnp.zeros((B, 1), jnp.int32)
    a0 = jnp.zeros((B, M), jnp.float32)
    _, _, ax, ay, az = lax.fori_loop(
        0, M, body, (dist0, far0, a0, a0, a0), unroll=4)
    nxt_ref[0] = ax
    nxt_ref[1] = ay
    nxt_ref[2] = az


def _run_fps(xt):
    return pl.pallas_call(
        _fps_body,
        out_shape=jax.ShapeDtypeStruct((3, B, M), jnp.float32),
    )(xt)


def _ball_body(nxyz_ref, xt_ref, w1t_ref, idx_ref, v_ref, dm_ref):
    b = pl.program_id(0)
    nx = nxyz_ref[0]
    v = jnp.zeros((M, C), jnp.float32)
    for j in range(3):
        v = v + nx[:, j:j + 1] * w1t_ref[j:j + 1, :]
    v_ref[0] = v
    def bf(t):
        return t.astype(jnp.bfloat16).astype(jnp.float32)

    n0, n1, n2 = nx[:, 0:1], nx[:, 1:2], nx[:, 2:3]
    p0, p1, p2 = xt_ref[0, 0], xt_ref[1, 0], xt_ref[2, 0]
    cross = (bf(n0) * bf(p0) + bf(n1) * bf(p1)) + bf(n2) * bf(p2)
    d = -2.0 * cross
    d = d + ((n0 * n0 + n1 * n1) + n2 * n2)
    d = d + ((p0 * p0 + p1 * p1) + p2 * p2)
    d = jnp.maximum(d, 0.0)
    dm_ref[...] = jnp.where(d > R2, jnp.inf, d)
    lanes_n = lax.broadcasted_iota(jnp.int32, (M, N), 1)
    lanes_k = lax.broadcasted_iota(jnp.int32, (M, K), 1)
    base = b * N

    NSUB = 8

    def body(k, carry):
        acc, idx0 = carry
        dmv = dm_ref[...]
        for t in range(NSUB):
            mn = jnp.min(dmv, axis=1, keepdims=True)
            sel = jnp.min(
                jnp.where(dmv == mn, lanes_n, N), axis=1, keepdims=True)
            idx0 = jnp.where((k == 0) & (t == 0), sel, idx0)
            chosen = jnp.where(mn == jnp.inf, idx0, sel) + base
            acc = jnp.where(lanes_k == k * NSUB + t, chosen, acc)
            dmv = jnp.where(lanes_n == sel, jnp.inf, dmv)
        dm_ref[...] = dmv
        return acc, idx0

    acc0 = jnp.zeros((M, K), jnp.int32)
    acc, _ = lax.fori_loop(
        0, K // NSUB, body, (acc0, jnp.zeros((M, 1), jnp.int32)))
    idx_ref[0] = acc


def _run_ball(new_xyz, xt, w1t):
    xt4 = xt.reshape(3, B, 1, N)
    return pl.pallas_call(
        _ball_body,
        grid=(B,),
        in_specs=[
            pl.BlockSpec((1, M, 3), lambda i: (i, 0, 0)),
            pl.BlockSpec((3, 1, 1, N), lambda i: (0, i, 0, 0)),
            pl.BlockSpec((131, C), lambda i: (0, 0)),
        ],
        out_specs=[
            pl.BlockSpec((1, M, K), lambda i: (i, 0, 0)),
            pl.BlockSpec((1, M, C), lambda i: (i, 0, 0)),
        ],
        out_shape=[
            jax.ShapeDtypeStruct((B, M, K), jnp.int32),
            jax.ShapeDtypeStruct((B, M, C), jnp.float32),
        ],
        scratch_shapes=[pltpu.VMEM((M, N), jnp.float32)],
    )(new_xyz, xt4, w1t)


def _mm1_body(x_ref, w_ref, b_ref, o_ref):
    o_ref[...] = (
        jnp.dot(x_ref[...], w_ref[...], preferred_element_type=jnp.float32)
        + b_ref[...]
    )


def _run_mm1(xall, w1t, b1r):
    nblk = 8
    rows = (B * N) // nblk
    return pl.pallas_call(
        _mm1_body,
        grid=(nblk,),
        in_specs=[
            pl.BlockSpec((rows, 131), lambda i: (i, 0)),
            pl.BlockSpec((131, C), lambda i: (0, 0)),
            pl.BlockSpec((1, C), lambda i: (0, 0)),
        ],
        out_specs=pl.BlockSpec((rows, C), lambda i: (i, 0)),
        out_shape=jax.ShapeDtypeStruct((B * N, C), jnp.float32),
    )(xall, w1t, b1r)


_SC_NW = 32
_SC_CHUNK = 128
_SC_NCHUNK = P // _SC_NW // _SC_CHUNK


def _gather_rows(g2d, idx2d):
    mesh = plsc.VectorSubcoreMesh(core_axis_name="c", subcore_axis_name="s")

    @functools.partial(
        pl.kernel,
        mesh=mesh,
        out_type=jax.ShapeDtypeStruct((P, C), jnp.float32),
        scratch_types=[
            pltpu.VMEM((_SC_NCHUNK, _SC_CHUNK), jnp.int32),
            pltpu.VMEM((_SC_CHUNK, C), jnp.float32),
            pltpu.SemaphoreType.DMA,
        ],
    )
    def k(g_hbm, idx_hbm, out_hbm, idx_v, rows_v, sem):
        wid = lax.axis_index("s") * 2 + lax.axis_index("c")
        chunk0 = wid * _SC_NCHUNK
        pltpu.sync_copy(idx_hbm.at[pl.ds(chunk0, _SC_NCHUNK)], idx_v)

        def body(j, _):
            pltpu.async_copy(g_hbm.at[idx_v.at[j]], rows_v, sem).wait()
            pltpu.sync_copy(
                rows_v, out_hbm.at[pl.ds((chunk0 + j) * _SC_CHUNK, _SC_CHUNK)]
            )
            return 0

        lax.fori_loop(0, _SC_NCHUNK, body, 0)

    return k(g2d, idx2d)


def _stats1_body(y_ref, v_ref, s_ref):
    y = y_ref[...] - v_ref[...][:, None, :]

    @pl.when(pl.program_id(0) == 0)
    def _():
        s_ref[...] = jnp.zeros_like(s_ref)

    s_ref[0:1, :] += jnp.sum(y, axis=(0, 1))[None, :]
    s_ref[1:2, :] += jnp.sum(y * y, axis=(0, 1))[None, :]


def _run_stats1(y1_3d, v2d):
    nblk = 32
    g = (B * M) // nblk
    return pl.pallas_call(
        _stats1_body,
        grid=(nblk,),
        in_specs=[
            pl.BlockSpec((g, K, C), lambda i: (i, 0, 0)),
            pl.BlockSpec((g, C), lambda i: (i, 0)),
        ],
        out_specs=pl.BlockSpec((8, C), lambda i: (0, 0)),
        out_shape=jax.ShapeDtypeStruct((8, C), jnp.float32),
    )(y1_3d, v2d)


def _bn_coeffs(s_ref, g_ref, be_ref, cols):
    mu = s_ref[0:1, :] / BN_N
    var = s_ref[1:2, :] / BN_N - mu * mu
    inv = g_ref[...] / jnp.sqrt(var + EPS)
    cc = be_ref[...] - mu * inv
    return inv.reshape(1, 1, cols), cc.reshape(1, 1, cols)


def _mm2_body(y_ref, v_ref, s_ref, g_ref, be_ref, w_ref, b2_ref, o_ref, s2_ref):
    inv, cc = _bn_coeffs(s_ref, g_ref, be_ref, C)
    y = y_ref[...] - v_ref[...][:, None, :]
    x = jnp.maximum(y * inv + cc, 0.0)
    xf = x.reshape(y.shape[0] * K, C)
    y2 = (
        jnp.dot(xf, w_ref[...], preferred_element_type=jnp.float32)
        + b2_ref[...]
    )
    o_ref[...] = y2.astype(jnp.bfloat16)

    @pl.when(pl.program_id(0) == 0)
    def _():
        s2_ref[...] = jnp.zeros_like(s2_ref)

    s2_ref[0:1, :] += jnp.sum(y2, axis=0)[None, :]
    s2_ref[1:2, :] += jnp.sum(y2 * y2, axis=0)[None, :]


def _run_mm2(y1_3d, v2d, s1, g1r, be1r, w2t, b2r):
    nblk = 32
    g = (B * M) // nblk
    return pl.pallas_call(
        _mm2_body,
        grid=(nblk,),
        in_specs=[
            pl.BlockSpec((g, K, C), lambda i: (i, 0, 0)),
            pl.BlockSpec((g, C), lambda i: (i, 0)),
            pl.BlockSpec((8, C), lambda i: (0, 0)),
            pl.BlockSpec((1, C), lambda i: (0, 0)),
            pl.BlockSpec((1, C), lambda i: (0, 0)),
            pl.BlockSpec((C, C), lambda i: (0, 0)),
            pl.BlockSpec((1, C), lambda i: (0, 0)),
        ],
        out_specs=[
            pl.BlockSpec((g * K, C), lambda i: (i, 0)),
            pl.BlockSpec((8, C), lambda i: (0, 0)),
        ],
        out_shape=[
            jax.ShapeDtypeStruct((P, C), jnp.bfloat16),
            jax.ShapeDtypeStruct((8, C), jnp.float32),
        ],
    )(y1_3d, v2d, s1, g1r, be1r, w2t, b2r)


def _mm3_body(y_ref, s_ref, g_ref, be_ref, w_ref, b3_ref, o_ref, s3_ref):
    mu = s_ref[0:1, :] / BN_N
    var = s_ref[1:2, :] / BN_N - mu * mu
    inv = g_ref[...] / jnp.sqrt(var + EPS)
    cc = be_ref[...] - mu * inv
    x = jnp.maximum(y_ref[...].astype(jnp.float32) * inv + cc, 0.0)
    y3 = (
        jnp.dot(x, w_ref[...], preferred_element_type=jnp.float32)
        + b3_ref[...]
    )
    o_ref[...] = y3.astype(jnp.bfloat16)

    @pl.when(pl.program_id(0) == 0)
    def _():
        s3_ref[...] = jnp.zeros_like(s3_ref)

    s3_ref[0:1, :] += jnp.sum(y3, axis=0)[None, :]
    s3_ref[1:2, :] += jnp.sum(y3 * y3, axis=0)[None, :]


def _run_mm3(y2, s2, g2r, be2r, w3t, b3r):
    nblk = 32
    rows = P // nblk
    return pl.pallas_call(
        _mm3_body,
        grid=(nblk,),
        in_specs=[
            pl.BlockSpec((rows, C), lambda i: (i, 0)),
            pl.BlockSpec((8, C), lambda i: (0, 0)),
            pl.BlockSpec((1, C), lambda i: (0, 0)),
            pl.BlockSpec((1, C), lambda i: (0, 0)),
            pl.BlockSpec((C, C3), lambda i: (0, 0)),
            pl.BlockSpec((1, C3), lambda i: (0, 0)),
        ],
        out_specs=[
            pl.BlockSpec((rows, C3), lambda i: (i, 0)),
            pl.BlockSpec((8, C3), lambda i: (0, 0)),
        ],
        out_shape=[
            jax.ShapeDtypeStruct((P, C3), jnp.bfloat16),
            jax.ShapeDtypeStruct((8, C3), jnp.float32),
        ],
    )(y2, s2, g2r, be2r, w3t, b3r)


def _final_body(y_ref, s_ref, g_ref, be_ref, o_ref):
    mu = s_ref[0:1, :] / BN_N
    var = s_ref[1:2, :] / BN_N - mu * mu
    inv = g_ref[...] / jnp.sqrt(var + EPS)
    cc = be_ref[...] - mu * inv
    z = jnp.maximum(y_ref[...].astype(jnp.float32) * inv.reshape(1, 1, C3)
                    + cc.reshape(1, 1, C3), 0.0)
    o_ref[...] = jnp.max(z, axis=1)


def _run_final(y3_3d, s3, g3r, be3r):
    nblk = 32
    g = (B * M) // nblk
    return pl.pallas_call(
        _final_body,
        grid=(nblk,),
        in_specs=[
            pl.BlockSpec((g, K, C3), lambda i: (i, 0, 0)),
            pl.BlockSpec((8, C3), lambda i: (0, 0)),
            pl.BlockSpec((1, C3), lambda i: (0, 0)),
            pl.BlockSpec((1, C3), lambda i: (0, 0)),
        ],
        out_specs=pl.BlockSpec((g, C3), lambda i: (i, 0)),
        out_shape=jax.ShapeDtypeStruct((B * M, C3), jnp.float32),
    )(y3_3d, s3, g3r, be3r)


def kernel(xyz, features, W1, b1, g1, be1, W2, b2, g2, be2, W3, b3, g3, be3):
    xt = jnp.transpose(xyz, (2, 0, 1))
    nxt = _run_fps(xt)
    new_xyz = jnp.transpose(nxt, (1, 2, 0))

    w1t = W1.T
    xall = jnp.concatenate([xyz, features], axis=-1).reshape(B * N, 131)
    g2d = _run_mm1(xall, w1t, b1.reshape(1, C))

    idx, v = _run_ball(new_xyz, xt, w1t)

    y1 = _gather_rows(g2d, idx.reshape(P // 128, 128))
    y1_3d = y1.reshape(B * M, K, C)
    v2d = v.reshape(B * M, C)

    s1 = _run_stats1(y1_3d, v2d)
    y2, s2 = _run_mm2(
        y1_3d, v2d, s1, g1.reshape(1, C), be1.reshape(1, C), W2.T,
        b2.reshape(1, C),
    )
    y3, s3 = _run_mm3(
        y2, s2, g2.reshape(1, C), be2.reshape(1, C), W3.T, b3.reshape(1, C3)
    )
    nf = _run_final(
        y3.reshape(B * M, K, C3), s3, g3.reshape(1, C3), be3.reshape(1, C3)
    )
    return new_xyz, nf.reshape(B, M, C3)

# --- scband reference (transcript-rebuilt; emitter-appended) ---
"""Pipeline reference for scband-set-abstraction-45174466019645 (READ-ONLY COPY).

The authoritative reference and input builder live on the scoring server;
editing this copy changes nothing except your own understanding.
"""

import jax, jax.numpy as jnp
import numpy as np

NPOINT = 512
RADIUS = 0.2
NSAMPLE = 32
MLP = [128, 128, 256]
IN_CH = 131


def square_distance(src, dst):
    dist = -2.0 * jnp.matmul(src, jnp.swapaxes(dst, 1, 2))
    dist = dist + jnp.sum(src ** 2, axis=-1)[:, :, None]
    dist = dist + jnp.sum(dst ** 2, axis=-1)[:, None, :]
    return jnp.maximum(dist, 0.0)


def ball_query(radius, nsample, xyz, new_xyz):
    sqrdist = square_distance(new_xyz, xyz)
    sqrdist = jnp.where(sqrdist > radius ** 2, jnp.inf, sqrdist)
    neg_vals, idx = jax.lax.top_k(-sqrdist, nsample)
    group_dist = -neg_vals
    first_valid = idx[:, :, :1]
    idx = jnp.where(jnp.isinf(group_dist), jnp.broadcast_to(first_valid, idx.shape), idx)
    return idx


def index_points(points, idx):
    return jax.vmap(lambda p, i: p[i])(points, idx)


def farthest_point_sample(xyz, npoint):
    B, N, _ = xyz.shape

    def body(i, state):
        centroids, distance, farthest = state
        centroids = centroids.at[:, i].set(farthest)
        centroid = jnp.take_along_axis(xyz, farthest[:, None, None], axis=1)
        dist = jnp.sum((xyz - centroid) ** 2, axis=-1)
        distance = jnp.minimum(distance, dist)
        farthest = jnp.argmax(distance, axis=-1).astype(jnp.int32)
        return (centroids, distance, farthest)

    centroids0 = jnp.zeros((B, npoint), dtype=jnp.int32)
    distance0 = jnp.full((B, N), 1e10, dtype=xyz.dtype)
    farthest0 = jnp.zeros((B,), dtype=jnp.int32)
    centroids, _, _ = jax.lax.fori_loop(0, npoint, body, (centroids0, distance0, farthest0))
    return centroids


def conv_bn_relu(x, W, b, g, be):
    x = jnp.einsum('oc,bcmk->bomk', W, x) + b[None, :, None, None]
    mean = jnp.mean(x, axis=(0, 2, 3), keepdims=True)
    var = jnp.var(x, axis=(0, 2, 3), keepdims=True)
    x = (x - mean) / jnp.sqrt(var + 1e-5)
    x = x * g[None, :, None, None] + be[None, :, None, None]
    return jax.nn.relu(x)


def setup_inputs(seed: int = 0):
    key = jax.random.key(seed)
    ks = jax.random.split(key, 8)
    B, N, C = 8, 4096, 128
    xyz = jax.random.uniform(ks[0], (B, N, 3), dtype=jnp.float32)
    features = jax.random.normal(ks[1], (B, N, C), dtype=jnp.float32)
    out = {'xyz': xyz, 'features': features}
    last = IN_CH
    for li, out_c in enumerate(MLP):
        out[f'W{li + 1}'] = jax.random.normal(ks[2 + li], (out_c, last), dtype=jnp.float32) * 0.05
        out[f'b{li + 1}'] = jnp.zeros((out_c,), jnp.float32)
        out[f'g{li + 1}'] = jnp.ones((out_c,), jnp.float32)
        out[f'be{li + 1}'] = jnp.zeros((out_c,), jnp.float32)
        last = out_c
    return out


def reference(xyz, features, W1, b1, g1, be1, W2, b2, g2, be2, W3, b3, g3, be3):
    fps_idx = farthest_point_sample(xyz, NPOINT)
    new_xyz = index_points(xyz, fps_idx)
    idx = ball_query(RADIUS, NSAMPLE, xyz, new_xyz)
    grouped_xyz = index_points(xyz, idx) - new_xyz[:, :, None, :]
    grouped_feat = index_points(features, idx)
    grouped = jnp.concatenate([grouped_xyz, grouped_feat], axis=-1)
    x = jnp.transpose(grouped, (0, 3, 1, 2))
    for (W, b, g, be) in ((W1, b1, g1, be1), (W2, b2, g2, be2), (W3, b3, g3, be3)):
        x = conv_bn_relu(x, W, b, g, be)
    new_features = jnp.swapaxes(jnp.max(x, axis=3), 1, 2)
    return (new_xyz, new_features)

if __name__ == "__main__":
    import jax
    _d = setup_inputs()
    print(jax.jit(kernel)(*tuple(_d.values())))

</pallas_src>

<mosaic_0001>
#map = affine_map<(d0, d1) -> (0, 0)>
module attributes {stable_mosaic.version = 14 : i64} {
  func.func @k(%arg0: i32, %arg1: i32, %arg2: memref<32768x128xf32, #tpu.memory_space<hbm>>, %arg3: memref<1024x128xi32, #tpu.memory_space<hbm>>, %arg4: memref<131072x128xf32, #tpu.memory_space<hbm>>, %arg5: memref<32x128xi32, #tpu.memory_space<vmem>>, %arg6: memref<128x128xf32, #tpu.memory_space<vmem>>, %arg7: memref<!tpu.dma_semaphore, #tpu.memory_space<semaphore_mem>>) attributes {dimension_semantics = [#tpu.dimension_semantics<core_parallel>, #tpu.dimension_semantics<subcore_parallel>], iteration_bounds = array<i64: 2, 16>, scalar_prefetch = 0 : i64, scratch_operands = 3 : i64, tpu.core_type = #tpu.core_type<sc_vector_subcore>, window_params = [{transform_indices = #map}, {transform_indices = #map}, {transform_indices = #map}]} {
    %mul3A = arith.constant 2 : i32
    %mul3A_0 = arith.muli %arg1, %mul3A : i32
    %add3A = arith.addi %mul3A_0, %arg0 : i32
    %mul3A_1 = arith.constant 32 : i32
    %mul3A_2 = arith.muli %add3A, %mul3A_1 : i32
    "tpu.region"() ({
      %run_scoped3A = tpu.sem_alloc : memref<!tpu.dma_semaphore, #tpu.memory_space<semaphore_mem>>
      %dma_start3A = arith.constant 0 : i32
      %dma_start3A_9 = tpu.memref_slice %arg3[%mul3A_2, %dma_start3A] : memref<1024x128xi32, #tpu.memory_space<hbm>> -> memref<32x128xi32, #tpu.memory_space<hbm>>
      %dma_start3A_10 = arith.constant 0 : i32
      %dma_start3A_11 = tpu.memref_slice %arg3[%mul3A_2, %dma_start3A_10] : memref<1024x128xi32, #tpu.memory_space<hbm>> -> memref<32x128xi32, #tpu.memory_space<hbm>>
      tpu.enqueue_dma source(%dma_start3A_11 : memref<32x128xi32, #tpu.memory_space<hbm>>) target(%arg5 : memref<32x128xi32, #tpu.memory_space<vmem>>) target_semaphore(%run_scoped3A : memref<!tpu.dma_semaphore, #tpu.memory_space<semaphore_mem>>)
      %dma_wait3A = arith.constant 0 : i32
      %dma_wait3A_12 = tpu.memref_slice %arg3[%mul3A_2, %dma_wait3A] : memref<1024x128xi32, #tpu.memory_space<hbm>> -> memref<32x128xi32, #tpu.memory_space<hbm>>
      %dma_wait3A_13 = arith.constant 0 : i32
      %dma_wait3A_14 = tpu.memref_slice %arg3[%mul3A_2, %dma_wait3A_13] : memref<1024x128xi32, #tpu.memory_space<hbm>> -> memref<32x128xi32, #tpu.memory_space<hbm>>
      tpu.wait_dma2 semaphore(%run_scoped3A : memref<!tpu.dma_semaphore, #tpu.memory_space<semaphore_mem>>) src(%dma_wait3A_14 : memref<32x128xi32, #tpu.memory_space<hbm>>) dst(%arg5 : memref<32x128xi32, #tpu.memory_space<vmem>>)
      tpu.yield
    }) : () -> ()
    %scan3A = arith.constant 0 : i32
    %scan3A_3 = arith.constant 0 : i32
    %scan3A_4 = arith.constant 32 : i32
    %scan3A_5 = arith.addi %scan3A_3, %scan3A_4 : i32
    %scan3A_6 = arith.constant 1 : i32
    %scan3A_7 = scf.for %scan3A_9 = %scan3A_3 to %scan3A_5 step %scan3A_6 iter_args(%scan3A_10 = %scan3A) -> (i32)  : i32 {
      %dma_start3A = arith.constant 0 : i32
      %dma_start3A_11 = tpu.memref_slice %arg5[%scan3A_9, %dma_start3A] : memref<32x128xi32, #tpu.memory_space<vmem>> -> memref<1x128xi32, #tpu.memory_space<vmem>>
      %dma_start3A_12 = tpu.memref_squeeze %dma_start3A_11 : memref<1x128xi32, #tpu.memory_space<vmem>> -> memref<128xi32, #tpu.memory_space<vmem>>
      %dma_start3A_13 = arith.constant 0 : i32
      %dma_start3A_14 = arith.constant 0 : i32
      %dma_start3A_15 = tpu.memref_slice %arg2[%dma_start3A_13, %dma_start3A_14] : memref<32768x128xf32, #tpu.memory_space<hbm>> -> memref<32768x128xf32, #tpu.memory_space<hbm>>
      tpu.enqueue_indirect_dma source(%dma_start3A_15 : memref<32768x128xf32, #tpu.memory_space<hbm>>) target(%arg6 : memref<128x128xf32, #tpu.memory_space<vmem>>) offsets(%dma_start3A_12 : memref<128xi32, #tpu.memory_space<vmem>>) semaphore(%arg7 : memref<!tpu.dma_semaphore, #tpu.memory_space<semaphore_mem>>)
      %dma_wait3A = arith.constant 0 : i32
      %dma_wait3A_16 = tpu.memref_slice %arg5[%scan3A_9, %dma_wait3A] : memref<32x128xi32, #tpu.memory_space<vmem>> -> memref<1x128xi32, #tpu.memory_space<vmem>>
      %dma_wait3A_17 = tpu.memref_squeeze %dma_wait3A_16 : memref<1x128xi32, #tpu.memory_space<vmem>> -> memref<128xi32, #tpu.memory_space<vmem>>
      %dma_wait3A_18 = arith.constant 0 : i32
      %dma_wait3A_19 = arith.constant 0 : i32
      %dma_wait3A_20 = tpu.memref_slice %arg2[%dma_wait3A_18, %dma_wait3A_19] : memref<32768x128xf32, #tpu.memory_space<hbm>> -> memref<32768x128xf32, #tpu.memory_space<hbm>>
      tpu.wait_indirect_dma semaphore(%arg7 : memref<!tpu.dma_semaphore, #tpu.memory_space<semaphore_mem>>) src(%dma_wait3A_20 : memref<32768x128xf32, #tpu.memory_space<hbm>>) dst(%arg6 : memref<128x128xf32, #tpu.memory_space<vmem>>)
      %add3A_21 = arith.addi %mul3A_2, %scan3A_9 : i32
      %mul3A_22 = arith.constant 128 : i32
      %mul3A_23 = arith.muli %add3A_21, %mul3A_22 : i32
      "tpu.region"() ({
        %run_scoped3A = tpu.sem_alloc : memref<!tpu.dma_semaphore, #tpu.memory_space<semaphore_mem>>
        %dma_start3A_25 = arith.constant 0 : i32
        %dma_start3A_26 = tpu.memref_slice %arg4[%mul3A_23, %dma_start3A_25] : memref<131072x128xf32, #tpu.memory_space<hbm>> -> memref<128x128xf32, #tpu.memory_space<hbm>>
        %dma_start3A_27 = arith.constant 0 : i32
        %dma_start3A_28 = tpu.memref_slice %arg4[%mul3A_23, %dma_start3A_27] : memref<131072x128xf32, #tpu.memory_space<hbm>> -> memref<128x128xf32, #tpu.memory_space<hbm>>
        tpu.enqueue_dma source(%arg6 : memref<128x128xf32, #tpu.memory_space<vmem>>) target(%dma_start3A_28 : memref<128x128xf32, #tpu.memory_space<hbm>>) target_semaphore(%run_scoped3A : memref<!tpu.dma_semaphore, #tpu.memory_space<semaphore_mem>>)
        %dma_wait3A_29 = arith.constant 0 : i32
        %dma_wait3A_30 = tpu.memref_slice %arg4[%mul3A_23, %dma_wait3A_29] : memref<131072x128xf32, #tpu.memory_space<hbm>> -> memref<128x128xf32, #tpu.memory_space<hbm>>
        %dma_wait3A_31 = arith.constant 0 : i32
        %dma_wait3A_32 = tpu.memref_slice %arg4[%mul3A_23, %dma_wait3A_31] : memref<131072x128xf32, #tpu.memory_space<hbm>> -> memref<128x128xf32, #tpu.memory_space<hbm>>
        tpu.wait_dma2 semaphore(%run_scoped3A : memref<!tpu.dma_semaphore, #tpu.memory_space<semaphore_mem>>) src(%arg6 : memref<128x128xf32, #tpu.memory_space<vmem>>) dst(%dma_wait3A_32 : memref<128x128xf32, #tpu.memory_space<hbm>>)
        tpu.yield
      }) : () -> ()
      %scan3A_24 = arith.constant 0 : i32
      scf.yield %scan3A_24 : i32
    }
    %scan3A_8 = arith.constant 32 : i32
    return
  }
}

module attributes {stable_mosaic.version = 14 : i64} {
  func.func @_fps_body(%arg0: memref<3x8x4096xf32, #tpu.memory_space<vmem>>, %arg1: memref<3x8x512xf32, #tpu.memory_space<vmem>>) attributes {dimension_semantics = [], scalar_prefetch = 0 : i64, scratch_operands = 0 : i64, tpu.core_type = #tpu.core_type<tc>} {
    %get3A = arith.constant 0 : index
    %get3A_0 = arith.constant 0 : index
    %get3A_1 = arith.constant 0 : index
    %get3A_2 = vector.load %arg0[%get3A, %get3A_0, %get3A_1] : memref<3x8x4096xf32, #tpu.memory_space<vmem>>, vector<1x8x4096xf32>
    %get3A_3 = vector.shape_cast %get3A_2 : vector<1x8x4096xf32> to vector<8x4096xf32>
    %get3A_4 = arith.constant 1 : index
    %get3A_5 = arith.constant 0 : index
    %get3A_6 = arith.constant 0 : index
    %get3A_7 = vector.load %arg0[%get3A_4, %get3A_5, %get3A_6] : memref<3x8x4096xf32, #tpu.memory_space<vmem>>, vector<1x8x4096xf32>
    %get3A_8 = vector.shape_cast %get3A_7 : vector<1x8x4096xf32> to vector<8x4096xf32>
    %get3A_9 = arith.constant 2 : index
    %get3A_10 = arith.constant 0 : index
    %get3A_11 = arith.constant 0 : index
    %get3A_12 = vector.load %arg0[%get3A_9, %get3A_10, %get3A_11] : memref<3x8x4096xf32, #tpu.memory_space<vmem>>, vector<1x8x4096xf32>
    %get3A_13 = vector.shape_cast %get3A_12 : vector<1x8x4096xf32> to vector<8x4096xf32>
    %iota3A = tpu.iota {dimensions = array<i32: 1>} : vector<8x4096xi32>
    %iota3A_14 = tpu.iota {dimensions = array<i32: 1>} : vector<8x512xi32>
    %broadcast_in_dim3A = arith.constant 1.000000e+10 : f32
    %broadcast_in_dim3A_15 = vector.broadcast %broadcast_in_dim3A : f32 to vector<8x4096xf32>
    %broadcast_in_dim3A_16 = arith.constant 0 : i32
    %broadcast_in_dim3A_17 = vector.broadcast %broadcast_in_dim3A_16 : i32 to vector<8x1xi32>
    %broadcast_in_dim3A_18 = arith.constant 0.000000e+00 : f32
    %broadcast_in_dim3A_19 = vector.broadcast %broadcast_in_dim3A_18 : f32 to vector<8x512xf32>
    %scan3A = arith.constant 0 : i32
    %scan3A_20 = arith.constant 512 : i32
    %scan3A_21 = arith.addi %scan3A, %scan3A_20 : i32
    %scan3A_22 = arith.constant 4 : i32
    %scan3A_23:5 = scf.for %scan3A_42 = %scan3A to %scan3A_21 step %scan3A_22 iter_args(%scan3A_43 = %broadcast_in_dim3A_15, %scan3A_44 = %broadcast_in_dim3A_17, %scan3A_45 = %broadcast_in_dim3A_19, %scan3A_46 = %broadcast_in_dim3A_19, %scan3A_47 = %broadcast_in_dim3A_19) -> (vector<8x4096xf32>, vector<8x1xi32>, vector<8x512xf32>, vector<8x512xf32>, vector<8x512xf32>)  : i32 {
      %eq3A = vector.broadcast %scan3A_44 : vector<8x1xi32> to vector<8x4096xi32>
      %eq3A_48 = arith.cmpi eq, %iota3A, %eq3A : vector<8x4096xi32>
      %jit3A = arith.constant 0.000000e+00 : f32
      %broadcast_in_dim3A_49 = vector.broadcast %jit3A : f32 to vector<8x4096xf32>
      %select_n3A = arith.select %eq3A_48, %get3A_3, %broadcast_in_dim3A_49 : vector<8x4096xi1>, vector<8x4096xf32>
      %reduce_sum3A = arith.constant dense<0.000000e+00> : vector<8xf32>
      %reduce_sum3A_50 = vector.multi_reduction <add>, %select_n3A, %reduce_sum3A [1] : vector<8x4096xf32> to vector<8xf32>
      %broadcast_in_dim3A_51 = vector.shape_cast %reduce_sum3A_50 : vector<8xf32> to vector<8x1xf32>
      %jit3A_52 = arith.constant 0.000000e+00 : f32
      %broadcast_in_dim3A_53 = vector.broadcast %jit3A_52 : f32 to vector<8x4096xf32>
      %select_n3A_54 = arith.select %eq3A_48, %get3A_8, %broadcast_in_dim3A_53 : vector<8x4096xi1>, vector<8x4096xf32>
      %reduce_sum3A_55 = arith.constant dense<0.000000e+00> : vector<8xf32>
      %reduce_sum3A_56 = vector.multi_reduction <add>, %select_n3A_54, %reduce_sum3A_55 [1] : vector<8x4096xf32> to vector<8xf32>
      %broadcast_in_dim3A_57 = vector.shape_cast %reduce_sum3A_56 : vector<8xf32> to vector<8x1xf32>
      %jit3A_58 = arith.constant 0.000000e+00 : f32
      %broadcast_in_dim3A_59 = vector.broadcast %jit3A_58 : f32 to vector<8x4096xf32>
      %select_n3A_60 = arith.select %eq3A_48, %get3A_13, %broadcast_in_dim3A_59 : vector<8x4096xi1>, vector<8x4096xf32>
      %reduce_sum3A_61 = arith.constant dense<0.000000e+00> : vector<8xf32>
      %reduce_sum3A_62 = vector.multi_reduction <add>, %select_n3A_60, %reduce_sum3A_61 [1] : vector<8x4096xf32> to vector<8xf32>
      %broadcast_in_dim3A_63 = vector.shape_cast %reduce_sum3A_62 : vector<8xf32> to vector<8x1xf32>
      %eq3A_64 = vector.broadcast %scan3A_42 : i32 to vector<8x512xi32>
      %eq3A_65 = arith.cmpi eq, %iota3A_14, %eq3A_64 : vector<8x512xi32>
      %broadcast_in_dim3A_66 = vector.shape_cast %broadcast_in_dim3A_51 : vector<8x1xf32> to vector<8x1xf32>
      %broadcast_in_dim3A_67 = vector.broadcast %broadcast_in_dim3A_66 : vector<8x1xf32> to vector<8x512xf32>
      %select_n3A_68 = arith.select %eq3A_65, %broadcast_in_dim3A_67, %scan3A_45 : vector<8x512xi1>, vector<8x512xf32>
      %broadcast_in_dim3A_69 = vector.shape_cast %broadcast_in_dim3A_57 : vector<8x1xf32> to vector<8x1xf32>
      %broadcast_in_dim3A_70 = vector.broadcast %broadcast_in_dim3A_69 : vector<8x1xf32> to vector<8x512xf32>
      %select_n3A_71 = arith.select %eq3A_65, %broadcast_in_dim3A_70, %scan3A_46 : vector<8x512xi1>, vector<8x512xf32>
      %broadcast_in_dim3A_72 = vector.shape_cast %broadcast_in_dim3A_63 : vector<8x1xf32> to vector<8x1xf32>
      %broadcast_in_dim3A_73 = vector.broadcast %broadcast_in_dim3A_72 : vector<8x1xf32> to vector<8x512xf32>
      %select_n3A_74 = arith.select %eq3A_65, %broadcast_in_dim3A_73, %scan3A_47 : vector<8x512xi1>, vector<8x512xf32>
      %sub3A = vector.broadcast %broadcast_in_dim3A_51 : vector<8x1xf32> to vector<8x4096xf32>
      %sub3A_75 = arith.subf %get3A_3, %sub3A : vector<8x4096xf32>
      %integer_pow3A = arith.mulf %sub3A_75, %sub3A_75 : vector<8x4096xf32>
      %sub3A_76 = vector.broadcast %broadcast_in_dim3A_57 : vector<8x1xf32> to vector<8x4096xf32>
      %sub3A_77 = arith.subf %get3A_8, %sub3A_76 : vector<8x4096xf32>
      %integer_pow3A_78 = arith.mulf %sub3A_77, %sub3A_77 : vector<8x4096xf32>
      %add3A = arith.addf %integer_pow3A, %integer_pow3A_78 : vector<8x4096xf32>
      %sub3A_79 = vector.broadcast %broadcast_in_dim3A_63 : vector<8x1xf32> to vector<8x4096xf32>
      %sub3A_80 = arith.subf %get3A_13, %sub3A_79 : vector<8x4096xf32>
      %integer_pow3A_81 = arith.mulf %sub3A_80, %sub3A_80 : vector<8x4096xf32>
      %add3A_82 = arith.addf %add3A, %integer_pow3A_81 : vector<8x4096xf32>
      %min3A = arith.minimumf %scan3A_43, %add3A_82 : vector<8x4096xf32>
      %reduce_max3A = arith.constant dense<0xFF800000> : vector<8xf32>
      %reduce_max3A_83 = vector.multi_reduction <maximumf>, %min3A, %reduce_max3A [1] : vector<8x4096xf32> to vector<8xf32>
      %broadcast_in_dim3A_84 = vector.shape_cast %reduce_max3A_83 : vector<8xf32> to vector<8x1xf32>
      %eq3A_85 = vector.broadcast %broadcast_in_dim3A_84 : vector<8x1xf32> to vector<8x4096xf32>
      %eq3A_86 = arith.cmpf oeq, %min3A, %eq3A_85 : vector<8x4096xf32>
      %jit3A_87 = arith.constant 4096 : i32
      %broadcast_in_dim3A_88 = vector.broadcast %jit3A_87 : i32 to vector<8x4096xi32>
      %select_n3A_89 = arith.select %eq3A_86, %iota3A, %broadcast_in_dim3A_88 : vector<8x4096xi1>, vector<8x4096xi32>
      %reduce_min3A = arith.constant dense<2147483647> : vector<8xi32>
      %reduce_min3A_90 = vector.multi_reduction <minsi>, %select_n3A_89, %reduce_min3A [1] : vector<8x4096xi32> to vector<8xi32>
      %broadcast_in_dim3A_91 = vector.shape_cast %reduce_min3A_90 : vector<8xi32> to vector<8x1xi32>
      %scan3A_92 = arith.constant 1 : i32
      %scan3A_93 = arith.addi %scan3A_42, %scan3A_92 : i32
      %eq3A_94 = vector.broadcast %broadcast_in_dim3A_91 : vector<8x1xi32> to vector<8x4096xi32>
      %eq3A_95 = arith.cmpi eq, %iota3A, %eq3A_94 : vector<8x4096xi32>
      %jit3A_96 = arith.constant 0.000000e+00 : f32
      %broadcast_in_dim3A_97 = vector.broadcast %jit3A_96 : f32 to vector<8x4096xf32>
      %select_n3A_98 = arith.select %eq3A_95, %get3A_3, %broadcast_in_dim3A_97 : vector<8x4096xi1>, vector<8x4096xf32>
      %reduce_sum3A_99 = arith.constant dense<0.000000e+00> : vector<8xf32>
      %reduce_sum3A_100 = vector.multi_reduction <add>, %select_n3A_98, %reduce_sum3A_99 [1] : vector<8x4096xf32> to vector<8xf32>
      %broadcast_in_dim3A_101 = vector.shape_cast %reduce_sum3A_100 : vector<8xf32> to vector<8x1xf32>
      %jit3A_102 = arith.constant 0.000000e+00 : f32
      %broadcast_in_dim3A_103 = vector.broadcast %jit3A_102 : f32 to vector<8x4096xf32>
      %select_n3A_104 = arith.select %eq3A_95, %get3A_8, %broadcast_in_dim3A_103 : vector<8x4096xi1>, vector<8x4096xf32>
      %reduce_sum3A_105 = arith.constant dense<0.000000e+00> : vector<8xf32>
      %reduce_sum3A_106 = vector.multi_reduction <add>, %select_n3A_104, %reduce_sum3A_105 [1] : vector<8x4096xf32> to vector<8xf32>
      %broadcast_in_dim3A_107 = vector.shape_cast %reduce_sum3A_106 : vector<8xf32> to vector<8x1xf32>
      %jit3A_108 = arith.constant 0.000000e+00 : f32
      %broadcast_in_dim3A_109 = vector.broadcast %jit3A_108 : f32 to vector<8x4096xf32>
      %select_n3A_110 = arith.select %eq3A_95, %get3A_13, %broadcast_in_dim3A_109 : vector<8x4096xi1>, vector<8x4096xf32>
      %reduce_sum3A_111 = arith.constant dense<0.000000e+00> : vector<8xf32>
      %reduce_sum3A_112 = vector.multi_reduction <add>, %select_n3A_110, %reduce_sum3A_111 [1] : vector<8x4096xf32> to vector<8xf32>
      %broadcast_in_dim3A_113 = vector.shape_cast %reduce_sum3A_112 : vector<8xf32> to vector<8x1xf32>
      %eq3A_114 = vector.broadcast %scan3A_93 : i32 to vector<8x512xi32>
      %eq3A_115 = arith.cmpi eq, %iota3A_14, %eq3A_114 : vector<8x512xi32>
      %broadcast_in_dim3A_116 = vector.shape_cast %broadcast_in_dim3A_101 : vector<8x1xf32> to vector<8x1xf32>
      %broadcast_in_dim3A_117 = vector.broadcast %broadcast_in_dim3A_116 : vector<8x1xf32> to vector<8x512xf32>
      %select_n3A_118 = arith.select %eq3A_115, %broadcast_in_dim3A_117, %select_n3A_68 : vector<8x512xi1>, vector<8x512xf32>
      %broadcast_in_dim3A_119 = vector.shape_cast %broadcast_in_dim3A_107 : vector<8x1xf32> to vector<8x1xf32>
      %broadcast_in_dim3A_120 = vector.broadcast %broadcast_in_dim3A_119 : vector<8x1xf32> to vector<8x512xf32>
      %select_n3A_121 = arith.select %eq3A_115, %broadcast_in_dim3A_120, %select_n3A_71 : vector<8x512xi1>, vector<8x512xf32>
      %broadcast_in_dim3A_122 = vector.shape_cast %broadcast_in_dim3A_113 : vector<8x1xf32> to vector<8x1xf32>
      %broadcast_in_dim3A_123 = vector.broadcast %broadcast_in_dim3A_122 : vector<8x1xf32> to vector<8x512xf32>
      %select_n3A_124 = arith.select %eq3A_115, %broadcast_in_dim3A_123, %select_n3A_74 : vector<8x512xi1>, vector<8x512xf32>
      %sub3A_125 = vector.broadcast %broadcast_in_dim3A_101 : vector<8x1xf32> to vector<8x4096xf32>
      %sub3A_126 = arith.subf %get3A_3, %sub3A_125 : vector<8x4096xf32>
      %integer_pow3A_127 = arith.mulf %sub3A_126, %sub3A_126 : vector<8x4096xf32>
      %sub3A_128 = vector.broadcast %broadcast_in_dim3A_107 : vector<8x1xf32> to vector<8x4096xf32>
      %sub3A_129 = arith.subf %get3A_8, %sub3A_128 : vector<8x4096xf32>
      %integer_pow3A_130 = arith.mulf %sub3A_129, %sub3A_129 : vector<8x4096xf32>
      %add3A_131 = arith.addf %integer_pow3A_127, %integer_pow3A_130 : vector<8x4096xf32>
      %sub3A_132 = vector.broadcast %broadcast_in_dim3A_113 : vector<8x1xf32> to vector<8x4096xf32>
      %sub3A_133 = arith.subf %get3A_13, %sub3A_132 : vector<8x4096xf32>
      %integer_pow3A_134 = arith.mulf %sub3A_133, %sub3A_133 : vector<8x4096xf32>
      %add3A_135 = arith.addf %add3A_131, %integer_pow3A_134 : vector<8x4096xf32>
      %min3A_136 = arith.minimumf %min3A, %add3A_135 : vector<8x4096xf32>
      %reduce_max3A_137 = arith.constant dense<0xFF800000> : vector<8xf32>
      %reduce_max3A_138 = vector.multi_reduction <maximumf>, %min3A_136, %reduce_max3A_137 [1] : vector<8x4096xf32> to vector<8xf32>
      %broadcast_in_dim3A_139 = vector.shape_cast %reduce_max3A_138 : vector<8xf32> to vector<8x1xf32>
      %eq3A_140 = vector.broadcast %broadcast_in_dim3A_139 : vector<8x1xf32> to vector<8x4096xf32>
      %eq3A_141 = arith.cmpf oeq, %min3A_136, %eq3A_140 : vector<8x4096xf32>
      %jit3A_142 = arith.constant 4096 : i32
      %broadcast_in_dim3A_143 = vector.broadcast %jit3A_142 : i32 to vector<8x4096xi32>
      %select_n3A_144 = arith.select %eq3A_141, %iota3A, %broadcast_in_dim3A_143 : vector<8x4096xi1>, vector<8x4096xi32>
      %reduce_min3A_145 = arith.constant dense<2147483647> : vector<8xi32>
      %reduce_min3A_146 = vector.multi_reduction <minsi>, %select_n3A_144, %reduce_min3A_145 [1] : vector<8x4096xi32> to vector<8xi32>
      %broadcast_in_dim3A_147 = vector.shape_cast %reduce_min3A_146 : vector<8xi32> to vector<8x1xi32>
      %scan3A_148 = arith.constant 2 : i32
      %scan3A_149 = arith.addi %scan3A_42, %scan3A_148 : i32
      %eq3A_150 = vector.broadcast %broadcast_in_dim3A_147 : vector<8x1xi32> to vector<8x4096xi32>
      %eq3A_151 = arith.cmpi eq, %iota3A, %eq3A_150 : vector<8x4096xi32>
      %jit3A_152 = arith.constant 0.000000e+00 : f32
      %broadcast_in_dim3A_153 = vector.broadcast %jit3A_152 : f32 to vector<8x4096xf32>
      %select_n3A_154 = arith.select %eq3A_151, %get3A_3, %broadcast_in_dim3A_153 : vector<8x4096xi1>, vector<8x4096xf32>
      %reduce_sum3A_155 = arith.constant dense<0.000000e+00> : vector<8xf32>
      %reduce_sum3A_156 = vector.multi_reduction <add>, %select_n3A_154, %reduce_sum3A_155 [1] : vector<8x4096xf32> to vector<8xf32>
      %broadcast_in_dim3A_157 = vector.shape_cast %reduce_sum3A_156 : vector<8xf32> to vector<8x1xf32>
      %jit3A_158 = arith.constant 0.000000e+00 : f32
      %broadcast_in_dim3A_159 = vector.broadcast %jit3A_158 : f32 to vector<8x4096xf32>
      %select_n3A_160 = arith.select %eq3A_151, %get3A_8, %broadcast_in_dim3A_159 : vector<8x4096xi1>, vector<8x4096xf32>
      %reduce_sum3A_161 = arith.constant dense<0.000000e+00> : vector<8xf32>
      %reduce_sum3A_162 = vector.multi_reduction <add>, %select_n3A_160, %reduce_sum3A_161 [1] : vector<8x4096xf32> to vector<8xf32>
      %broadcast_in_dim3A_163 = vector.shape_cast %reduce_sum3A_162 : vector<8xf32> to vector<8x1xf32>
      %jit3A_164 = arith.constant 0.000000e+00 : f32
      %broadcast_in_dim3A_165 = vector.broadcast %jit3A_164 : f32 to vector<8x4096xf32>
      %select_n3A_166 = arith.select %eq3A_151, %get3A_13, %broadcast_in_dim3A_165 : vector<8x4096xi1>, vector<8x4096xf32>
      %reduce_sum3A_167 = arith.constant dense<0.000000e+00> : vector<8xf32>
      %reduce_sum3A_168 = vector.multi_reduction <add>, %select_n3A_166, %reduce_sum3A_167 [1] : vector<8x4096xf32> to vector<8xf32>
      %broadcast_in_dim3A_169 = vector.shape_cast %reduce_sum3A_168 : vector<8xf32> to vector<8x1xf32>
      %eq3A_170 = vector.broadcast %scan3A_149 : i32 to vector<8x512xi32>
      %eq3A_171 = arith.cmpi eq, %iota3A_14, %eq3A_170 : vector<8x512xi32>
      %broadcast_in_dim3A_172 = vector.shape_cast %broadcast_in_dim3A_157 : vector<8x1xf32> to vector<8x1xf32>
      %broadcast_in_dim3A_173 = vector.broadcast %broadcast_in_dim3A_172 : vector<8x1xf32> to vector<8x512xf32>
      %select_n3A_174 = arith.select %eq3A_171, %broadcast_in_dim3A_173, %select_n3A_118 : vector<8x512xi1>, vector<8x512xf32>
      %broadcast_in_dim3A_175 = vector.shape_cast %broadcast_in_dim3A_163 : vector<8x1xf32> to vector<8x1xf32>
      %broadcast_in_dim3A_176 = vector.broadcast %broadcast_in_dim3A_175 : vector<8x1xf32> to vector<8x512xf32>
      %select_n3A_177 = arith.select %eq3A_171, %broadcast_in_dim3A_176, %select_n3A_121 : vector<8x512xi1>, vector<8x512xf32>
      %broadcast_in_dim3A_178 = vector.shape_cast %broadcast_in_dim3A_169 : vector<8x1xf32> to vector<8x1xf32>
      %broadcast_in_dim3A_179 = vector.broadcast %broadcast_in_dim3A_178 : vector<8x1xf32> to vector<8x512xf32>
      %select_n3A_180 = arith.select %eq3A_171, %broadcast_in_dim3A_179, %select_n3A_124 : vector<8x512xi1>, vector<8x512xf32>
      %sub3A_181 = vector.broadcast %broadcast_in_dim3A_157 : vector<8x1xf32> to vector<8x4096xf32>
      %sub3A_182 = arith.subf %get3A_3, %sub3A_181 : vector<8x4096xf32>
      %integer_pow3A_183 = arith.mulf %sub3A_182, %sub3A_182 : vector<8x4096xf32>
      %sub3A_184 = vector.broadcast %broadcast_in_dim3A_163 : vector<8x1xf32> to vector<8x4096xf32>
      %sub3A_185 = arith.subf %get3A_8, %sub3A_184 : vector<8x4096xf32>
      %integer_pow3A_186 = arith.mulf %sub3A_185, %sub3A_185 : vector<8x4096xf32>
      %add3A_187 = arith.addf %integer_pow3A_183, %integer_pow3A_186 : vector<8x4096xf32>
      %sub3A_188 = vector.broadcast %broadcast_in_dim3A_169 : vector<8x1xf32> to vector<8x4096xf32>
      %sub3A_189 = arith.subf %get3A_13, %sub3A_188 : vector<8x4096xf32>
      %integer_pow3A_190 = arith.mulf %sub3A_189, %sub3A_189 : vector<8x4096xf32>
      %add3A_191 = arith.addf %add3A_187, %integer_pow3A_190 : vector<8x4096xf32>
      %min3A_192 = arith.minimumf %min3A_136, %add3A_191 : vector<8x4096xf32>
      %reduce_max3A_193 = arith.constant dense<0xFF800000> : vector<8xf32>
      %reduce_max3A_194 = vector.multi_reduction <maximumf>, %min3A_192, %reduce_max3A_193 [1] : vector<8x4096xf32> to vector<8xf32>
      %broadcast_in_dim3A_195 = vector.shape_cast %reduce_max3A_194 : vector<8xf32> to vector<8x1xf32>
      %eq3A_196 = vector.broadcast %broadcast_in_dim3A_195 : vector<8x1xf32> to vector<8x4096xf32>
      %eq3A_197 = arith.cmpf oeq, %min3A_192, %eq3A_196 : vector<8x4096xf32>
      %jit3A_198 = arith.constant 4096 : i32
      %broadcast_in_dim3A_199 = vector.broadcast %jit3A_198 : i32 to vector<8x4096xi32>
      %select_n3A_200 = arith.select %eq3A_197, %iota3A, %broadcast_in_dim3A_199 : vector<8x4096xi1>, vector<8x4096xi32>
      %reduce_min3A_201 = arith.constant dense<2147483647> : vector<8xi32>
      %reduce_min3A_202 = vector.multi_reduction <minsi>, %select_n3A_200, %reduce_min3A_201 [1] : vector<8x4096xi32> to vector<8xi32>
      %broadcast_in_dim3A_203 = vector.shape_cast %reduce_min3A_202 : vector<8xi32> to vector<8x1xi32>
      %scan3A_204 = arith.constant 3 : i32
      %scan3A_205 = arith.addi %scan3A_42, %scan3A_204 : i32
      %eq3A_206 = vector.broadcast %broadcast_in_dim3A_203 : vector<8x1xi32> to vector<8x4096xi32>
      %eq3A_207 = arith.cmpi eq, %iota3A, %eq3A_206 : vector<8x4096xi32>
      %jit3A_208 = arith.constant 0.000000e+00 : f32
      %broadcast_in_dim3A_209 = vector.broadcast %jit3A_208 : f32 to vector<8x4096xf32>
      %select_n3A_210 = arith.select %eq3A_207, %get3A_3, %broadcast_in_dim3A_209 : vector<8x4096xi1>, vector<8x4096xf32>
      %reduce_sum3A_211 = arith.constant dense<0.000000e+00> : vector<8xf32>
      %reduce_sum3A_212 = vector.multi_reduction <add>, %select_n3A_210, %reduce_sum3A_211 [1] : vector<8x4096xf32> to vector<8xf32>
      %broadcast_in_dim3A_213 = vector.shape_cast %reduce_sum3A_212 : vector<8xf32> to vector<8x1xf32>
      %jit3A_214 = arith.constant 0.000000e+00 : f32
      %broadcast_in_dim3A_215 = vector.broadcast %jit3A_214 : f32 to vector<8x4096xf32>
      %select_n3A_216 = arith.select %eq3A_207, %get3A_8, %broadcast_in_dim3A_215 : vector<8x4096xi1>, vector<8x4096xf32>
      %reduce_sum3A_217 = arith.constant dense<0.000000e+00> : vector<8xf32>
      %reduce_sum3A_218 = vector.multi_reduction <add>, %select_n3A_216, %reduce_sum3A_217 [1] : vector<8x4096xf32> to vector<8xf32>
      %broadcast_in_dim3A_219 = vector.shape_cast %reduce_sum3A_218 : vector<8xf32> to vector<8x1xf32>
      %jit3A_220 = arith.constant 0.000000e+00 : f32
      %broadcast_in_dim3A_221 = vector.broadcast %jit3A_220 : f32 to vector<8x4096xf32>
      %select_n3A_222 = arith.select %eq3A_207, %get3A_13, %broadcast_in_dim3A_221 : vector<8x4096xi1>, vector<8x4096xf32>
      %reduce_sum3A_223 = arith.constant dense<0.000000e+00> : vector<8xf32>
      %reduce_sum3A_224 = vector.multi_reduction <add>, %select_n3A_222, %reduce_sum3A_223 [1] : vector<8x4096xf32> to vector<8xf32>
      %broadcast_in_dim3A_225 = vector.shape_cast %reduce_sum3A_224 : vector<8xf32> to vector<8x1xf32>
      %eq3A_226 = vector.broadcast %scan3A_205 : i32 to vector<8x512xi32>
      %eq3A_227 = arith.cmpi eq, %iota3A_14, %eq3A_226 : vector<8x512xi32>
      %broadcast_in_dim3A_228 = vector.shape_cast %broadcast_in_dim3A_213 : vector<8x1xf32> to vector<8x1xf32>
      %broadcast_in_dim3A_229 = vector.broadcast %broadcast_in_dim3A_228 : vector<8x1xf32> to vector<8x512xf32>
      %select_n3A_230 = arith.select %eq3A_227, %broadcast_in_dim3A_229, %select_n3A_174 : vector<8x512xi1>, vector<8x512xf32>
      %broadcast_in_dim3A_231 = vector.shape_cast %broadcast_in_dim3A_219 : vector<8x1xf32> to vector<8x1xf32>
      %broadcast_in_dim3A_232 = vector.broadcast %broadcast_in_dim3A_231 : vector<8x1xf32> to vector<8x512xf32>
      %select_n3A_233 = arith.select %eq3A_227, %broadcast_in_dim3A_232, %select_n3A_177 : vector<8x512xi1>, vector<8x512xf32>
      %broadcast_in_dim3A_234 = vector.shape_cast %broadcast_in_dim3A_225 : vector<8x1xf32> to vector<8x1xf32>
      %broadcast_in_dim3A_235 = vector.broadcast %broadcast_in_dim3A_234 : vector<8x1xf32> to vector<8x512xf32>
      %select_n3A_236 = arith.select %eq3A_227, %broadcast_in_dim3A_235, %select_n3A_180 : vector<8x512xi1>, vector<8x512xf32>
      %sub3A_237 = vector.broadcast %broadcast_in_dim3A_213 : vector<8x1xf32> to vector<8x4096xf32>
      %sub3A_238 = arith.subf %get3A_3, %sub3A_237 : vector<8x4096xf32>
      %integer_pow3A_239 = arith.mulf %sub3A_238, %sub3A_238 : vector<8x4096xf32>
      %sub3A_240 = vector.broadcast %broadcast_in_dim3A_219 : vector<8x1xf32> to vector<8x4096xf32>
      %sub3A_241 = arith.subf %get3A_8, %sub3A_240 : vector<8x4096xf32>
      %integer_pow3A_242 = arith.mulf %sub3A_241, %sub3A_241 : vector<8x4096xf32>
      %add3A_243 = arith.addf %integer_pow3A_239, %integer_pow3A_242 : vector<8x4096xf32>
      %sub3A_244 = vector.broadcast %broadcast_in_dim3A_225 : vector<8x1xf32> to vector<8x4096xf32>
      %sub3A_245 = arith.subf %get3A_13, %sub3A_244 : vector<8x4096xf32>
      %integer_pow3A_246 = arith.mulf %sub3A_245, %sub3A_245 : vector<8x4096xf32>
      %add3A_247 = arith.addf %add3A_243, %integer_pow3A_246 : vector<8x4096xf32>
      %min3A_248 = arith.minimumf %min3A_192, %add3A_247 : vector<8x4096xf32>
      %reduce_max3A_249 = arith.constant dense<0xFF800000> : vector<8xf32>
      %reduce_max3A_250 = vector.multi_reduction <maximumf>, %min3A_248, %reduce_max3A_249 [1] : vector<8x4096xf32> to vector<8xf32>
      %broadcast_in_dim3A_251 = vector.shape_cast %reduce_max3A_250 : vector<8xf32> to vector<8x1xf32>
      %eq3A_252 = vector.broadcast %broadcast_in_dim3A_251 : vector<8x1xf32> to vector<8x4096xf32>
      %eq3A_253 = arith.cmpf oeq, %min3A_248, %eq3A_252 : vector<8x4096xf32>
      %jit3A_254 = arith.constant 4096 : i32
      %broadcast_in_dim3A_255 = vector.broadcast %jit3A_254 : i32 to vector<8x4096xi32>
      %select_n3A_256 = arith.select %eq3A_253, %iota3A, %broadcast_in_dim3A_255 : vector<8x4096xi1>, vector<8x4096xi32>
      %reduce_min3A_257 = arith.constant dense<2147483647> : vector<8xi32>
      %reduce_min3A_258 = vector.multi_reduction <minsi>, %select_n3A_256, %reduce_min3A_257 [1] : vector<8x4096xi32> to vector<8xi32>
      %broadcast_in_dim3A_259 = vector.shape_cast %reduce_min3A_258 : vector<8xi32> to vector<8x1xi32>
      scf.yield %min3A_248, %broadcast_in_dim3A_259, %select_n3A_230, %select_n3A_233, %select_n3A_236 : vector<8x4096xf32>, vector<8x1xi32>, vector<8x512xf32>, vector<8x512xf32>, vector<8x512xf32>
    }
    %scan3A_24 = arith.constant 512 : i32
    %swap3A = arith.constant 0 : index
    %swap3A_25 = arith.constant 0 : index
    %swap3A_26 = arith.constant 0 : index
    %swap3A_27 = vector.load %arg1[%swap3A, %swap3A_25, %swap3A_26] : memref<3x8x512xf32, #tpu.memory_space<vmem>>, vector<1x8x512xf32>
    %swap3A_28 = vector.shape_cast %swap3A_27 : vector<1x8x512xf32> to vector<8x512xf32>
    %swap3A_29 = vector.shape_cast %scan3A_23#2 : vector<8x512xf32> to vector<1x8x512xf32>
    tpu.vector_store %arg1[%swap3A, %swap3A_25, %swap3A_26], %swap3A_29 {strides = array<i32>} : memref<3x8x512xf32, #tpu.memory_space<vmem>>, vector<1x8x512xf32>,
    %swap3A_30 = arith.constant 1 : index
    %swap3A_31 = arith.constant 0 : index
    %swap3A_32 = arith.constant 0 : index
    %swap3A_33 = vector.load %arg1[%swap3A_30, %swap3A_31, %swap3A_32] : memref<3x8x512xf32, #tpu.memory_space<vmem>>, vector<1x8x512xf32>
    %swap3A_34 = vector.shape_cast %swap3A_33 : vector<1x8x512xf32> to vector<8x512xf32>
    %swap3A_35 = vector.shape_cast %scan3A_23#3 : vector<8x512xf32> to vector<1x8x512xf32>
    tpu.vector_store %arg1[%swap3A_30, %swap3A_31, %swap3A_32], %swap3A_35 {strides = array<i32>} : memref<3x8x512xf32, #tpu.memory_space<vmem>>, vector<1x8x512xf32>,
    %swap3A_36 = arith.constant 2 : index
    %swap3A_37 = arith.constant 0 : index
    %swap3A_38 = arith.constant 0 : index
    %swap3A_39 = vector.load %arg1[%swap3A_36, %swap3A_37, %swap3A_38] : memref<3x8x512xf32, #tpu.memory_space<vmem>>, vector<1x8x512xf32>
    %swap3A_40 = vector.shape_cast %swap3A_39 : vector<1x8x512xf32> to vector<8x512xf32>
    %swap3A_41 = vector.shape_cast %scan3A_23#4 : vector<8x512xf32> to vector<1x8x512xf32>
    tpu.vector_store %arg1[%swap3A_36, %swap3A_37, %swap3A_38], %swap3A_41 {strides = array<i32>} : memref<3x8x512xf32, #tpu.memory_space<vmem>>, vector<1x8x512xf32>,
    return
  }
}

module attributes {stable_mosaic.version = 14 : i64} {
  func.func @_ball_body(%arg0: i32, %arg1: memref<1x512x3xf32, #tpu.memory_space<vmem>>, %arg2: memref<3x1x1x4096xf32, #tpu.memory_space<vmem>>, %arg3: memref<131x128xf32, #tpu.memory_space<vmem>>, %arg4: memref<1x512x32xi32, #tpu.memory_space<vmem>>, %arg5: memref<1x512x128xf32, #tpu.memory_space<vmem>>, %arg6: memref<512x4096xf32, #tpu.memory_space<vmem>>) attributes {dimension_semantics = [#tpu.dimension_semantics<arbitrary>], iteration_bounds = array<i64: 8>, scalar_prefetch = 0 : i64, scratch_operands = 1 : i64, tpu.core_type = #tpu.core_type<tc>, window_params = [{transform_indices = @transform_0, window_bounds = array<i64: 1, 512, 3>}, {transform_indices = @transform_1, window_bounds = array<i64: 3, 1, 1, 4096>}, {pipeline_mode = #tpu.pipeline_mode<synchronous>, transform_indices = @transform_2, window_bounds = array<i64: 131, 128>}, {transform_indices = @transform_3, window_bounds = array<i64: 1, 512, 32>}, {transform_indices = @transform_4, window_bounds = array<i64: 1, 512, 128>}]} {
    %get3A = arith.constant 0 : index
    %get3A_0 = arith.constant 0 : index
    %get3A_1 = arith.constant 0 : index
    %get3A_2 = vector.load %arg1[%get3A, %get3A_0, %get3A_1] : memref<1x512x3xf32, #tpu.memory_space<vmem>>, vector<1x512x3xf32>
    %get3A_3 = vector.shape_cast %get3A_2 : vector<1x512x3xf32> to vector<512x3xf32>
    %broadcast_in_dim3A = arith.constant 0.000000e+00 : f32
    %broadcast_in_dim3A_4 = vector.broadcast %broadcast_in_dim3A : f32 to vector<512x128xf32>
    %slice3A = vector.extract_strided_slice %get3A_3 {offsets = [0, 0], sizes = [512, 1], strides = [1, 1]} : vector<512x3xf32> to vector<512x1xf32>
    %get3A_5 = arith.constant 0 : index
    %get3A_6 = arith.constant 0 : index
    %get3A_7 = vector.load %arg3[%get3A_5, %get3A_6] : memref<131x128xf32, #tpu.memory_space<vmem>>, vector<1x128xf32>
    %mul3A = vector.broadcast %slice3A : vector<512x1xf32> to vector<512x128xf32>
    %mul3A_8 = vector.broadcast %get3A_7 : vector<1x128xf32> to vector<512x128xf32>
    %mul3A_9 = arith.mulf %mul3A, %mul3A_8 : vector<512x128xf32>
    %add3A = arith.addf %broadcast_in_dim3A_4, %mul3A_9 : vector<512x128xf32>
    %slice3A_10 = vector.extract_strided_slice %get3A_3 {offsets = [0, 1], sizes = [512, 1], strides = [1, 1]} : vector<512x3xf32> to vector<512x1xf32>
    %get3A_11 = arith.constant 1 : index
    %get3A_12 = arith.constant 0 : index
    %get3A_13 = vector.load %arg3[%get3A_11, %get3A_12] : memref<131x128xf32, #tpu.memory_space<vmem>>, vector<1x128xf32>
    %mul3A_14 = vector.broadcast %slice3A_10 : vector<512x1xf32> to vector<512x128xf32>
    %mul3A_15 = vector.broadcast %get3A_13 : vector<1x128xf32> to vector<512x128xf32>
    %mul3A_16 = arith.mulf %mul3A_14, %mul3A_15 : vector<512x128xf32>
    %add3A_17 = arith.addf %add3A, %mul3A_16 : vector<512x128xf32>
    %slice3A_18 = vector.extract_strided_slice %get3A_3 {offsets = [0, 2], sizes = [512, 1], strides = [1, 1]} : vector<512x3xf32> to vector<512x1xf32>
    %get3A_19 = arith.constant 2 : index
    %get3A_20 = arith.constant 0 : index
    %get3A_21 = vector.load %arg3[%get3A_19, %get3A_20] : memref<131x128xf32, #tpu.memory_space<vmem>>, vector<1x128xf32>
    %mul3A_22 = vector.broadcast %slice3A_18 : vector<512x1xf32> to vector<512x128xf32>
    %mul3A_23 = vector.broadcast %get3A_21 : vector<1x128xf32> to vector<512x128xf32>
    %mul3A_24 = arith.mulf %mul3A_22, %mul3A_23 : vector<512x128xf32>
    %add3A_25 = arith.addf %add3A_17, %mul3A_24 : vector<512x128xf32>
    %swap3A = arith.constant 0 : index
    %swap3A_26 = arith.constant 0 : index
    %swap3A_27 = arith.constant 0 : index
    %swap3A_28 = vector.load %arg5[%swap3A, %swap3A_26, %swap3A_27] : memref<1x512x128xf32, #tpu.memory_space<vmem>>, vector<1x512x128xf32>
    %swap3A_29 = vector.shape_cast %swap3A_28 : vector<1x512x128xf32> to vector<512x128xf32>
    %swap3A_30 = vector.shape_cast %add3A_25 : vector<512x128xf32> to vector<1x512x128xf32>
    tpu.vector_store %arg5[%swap3A, %swap3A_26, %swap3A_27], %swap3A_30 {strides = array<i32>} : memref<1x512x128xf32, #tpu.memory_space<vmem>>, vector<1x512x128xf32>,
    %slice3A_31 = vector.extract_strided_slice %get3A_3 {offsets = [0, 0], sizes = [512, 1], strides = [1, 1]} : vector<512x3xf32> to vector<512x1xf32>
    %slice3A_32 = vector.extract_strided_slice %get3A_3 {offsets = [0, 1], sizes = [512, 1], strides = [1, 1]} : vector<512x3xf32> to vector<512x1xf32>
    %slice3A_33 = vector.extract_strided_slice %get3A_3 {offsets = [0, 2], sizes = [512, 1], strides = [1, 1]} : vector<512x3xf32> to vector<512x1xf32>
    %get3A_34 = arith.constant 0 : index
    %get3A_35 = arith.constant 0 : index
    %get3A_36 = arith.constant 0 : index
    %get3A_37 = arith.constant 0 : index
    %get3A_38 = vector.load %arg2[%get3A_34, %get3A_35, %get3A_36, %get3A_37] : memref<3x1x1x4096xf32, #tpu.memory_space<vmem>>, vector<1x1x1x4096xf32>
    %get3A_39 = vector.shape_cast %get3A_38 : vector<1x1x1x4096xf32> to vector<1x4096xf32>
    %get3A_40 = arith.constant 1 : index
    %get3A_41 = arith.constant 0 : index
    %get3A_42 = arith.constant 0 : index
    %get3A_43 = arith.constant 0 : index
    %get3A_44 = vector.load %arg2[%get3A_40, %get3A_41, %get3A_42, %get3A_43] : memref<3x1x1x4096xf32, #tpu.memory_space<vmem>>, vector<1x1x1x4096xf32>
    %get3A_45 = vector.shape_cast %get3A_44 : vector<1x1x1x4096xf32> to vector<1x4096xf32>
    %get3A_46 = arith.constant 2 : index
    %get3A_47 = arith.constant 0 : index
    %get3A_48 = arith.constant 0 : index
    %get3A_49 = arith.constant 0 : index
    %get3A_50 = vector.load %arg2[%get3A_46, %get3A_47, %get3A_48, %get3A_49] : memref<3x1x1x4096xf32, #tpu.memory_space<vmem>>, vector<1x1x1x4096xf32>
    %get3A_51 = vector.shape_cast %get3A_50 : vector<1x1x1x4096xf32> to vector<1x4096xf32>
    %convert_element_type3A = arith.truncf %slice3A_31 : vector<512x1xf32> to vector<512x1xbf16>
    %convert_element_type3A_52 = arith.extf %convert_element_type3A : vector<512x1xbf16> to vector<512x1xf32>
    %convert_element_type3A_53 = arith.truncf %get3A_39 : vector<1x4096xf32> to vector<1x4096xbf16>
    %convert_element_type3A_54 = arith.extf %convert_element_type3A_53 : vector<1x4096xbf16> to vector<1x4096xf32>
    %mul3A_55 = vector.broadcast %convert_element_type3A_52 : vector<512x1xf32> to vector<512x4096xf32>
    %mul3A_56 = vector.broadcast %convert_element_type3A_54 : vector<1x4096xf32> to vector<512x4096xf32>
    %mul3A_57 = arith.mulf %mul3A_55, %mul3A_56 : vector<512x4096xf32>
    %convert_element_type3A_58 = arith.truncf %slice3A_32 : vector<512x1xf32> to vector<512x1xbf16>
    %convert_element_type3A_59 = arith.extf %convert_element_type3A_58 : vector<512x1xbf16> to vector<512x1xf32>
    %convert_element_type3A_60 = arith.truncf %get3A_45 : vector<1x4096xf32> to vector<1x4096xbf16>
    %convert_element_type3A_61 = arith.extf %convert_element_type3A_60 : vector<1x4096xbf16> to vector<1x4096xf32>
    %mul3A_62 = vector.broadcast %convert_element_type3A_59 : vector<512x1xf32> to vector<512x4096xf32>
    %mul3A_63 = vector.broadcast %convert_element_type3A_61 : vector<1x4096xf32> to vector<512x4096xf32>
    %mul3A_64 = arith.mulf %mul3A_62, %mul3A_63 : vector<512x4096xf32>
    %add3A_65 = arith.addf %mul3A_57, %mul3A_64 : vector<512x4096xf32>
    %convert_element_type3A_66 = arith.truncf %slice3A_33 : vector<512x1xf32> to vector<512x1xbf16>
    %convert_element_type3A_67 = arith.extf %convert_element_type3A_66 : vector<512x1xbf16> to vector<512x1xf32>
    %convert_element_type3A_68 = arith.truncf %get3A_51 : vector<1x4096xf32> to vector<1x4096xbf16>
    %convert_element_type3A_69 = arith.extf %convert_element_type3A_68 : vector<1x4096xbf16> to vector<1x4096xf32>
    %mul3A_70 = vector.broadcast %convert_element_type3A_67 : vector<512x1xf32> to vector<512x4096xf32>
    %mul3A_71 = vector.broadcast %convert_element_type3A_69 : vector<1x4096xf32> to vector<512x4096xf32>
    %mul3A_72 = arith.mulf %mul3A_70, %mul3A_71 : vector<512x4096xf32>
    %add3A_73 = arith.addf %add3A_65, %mul3A_72 : vector<512x4096xf32>
    %mul3A_74 = arith.constant -2.000000e+00 : f32
    %mul3A_75 = vector.broadcast %mul3A_74 : f32 to vector<512x4096xf32>
    %mul3A_76 = arith.mulf %mul3A_75, %add3A_73 : vector<512x4096xf32>
    %mul3A_77 = arith.mulf %slice3A_31, %slice3A_31 : vector<512x1xf32>
    %mul3A_78 = arith.mulf %slice3A_32, %slice3A_32 : vector<512x1xf32>
    %add3A_79 = arith.addf %mul3A_77, %mul3A_78 : vector<512x1xf32>
    %mul3A_80 = arith.mulf %slice3A_33, %slice3A_33 : vector<512x1xf32>
    %add3A_81 = arith.addf %add3A_79, %mul3A_80 : vector<512x1xf32>
    %add3A_82 = vector.broadcast %add3A_81 : vector<512x1xf32> to vector<512x4096xf32>
    %add3A_83 = arith.addf %mul3A_76, %add3A_82 : vector<512x4096xf32>
    %mul3A_84 = arith.mulf %get3A_39, %get3A_39 : vector<1x4096xf32>
    %mul3A_85 = arith.mulf %get3A_45, %get3A_45 : vector<1x4096xf32>
    %add3A_86 = arith.addf %mul3A_84, %mul3A_85 : vector<1x4096xf32>
    %mul3A_87 = arith.mulf %get3A_51, %get3A_51 : vector<1x4096xf32>
    %add3A_88 = arith.addf %add3A_86, %mul3A_87 : vector<1x4096xf32>
    %add3A_89 = vector.broadcast %add3A_88 : vector<1x4096xf32> to vector<512x4096xf32>
    %add3A_90 = arith.addf %add3A_83, %add3A_89 : vector<512x4096xf32>
    %max3A = arith.constant 0.000000e+00 : f32
    %max3A_91 = vector.broadcast %max3A : f32 to vector<512x4096xf32>
    %max3A_92 = arith.maximumf %add3A_90, %max3A_91 : vector<512x4096xf32>
    %gt3A = arith.constant 4.000000e-02 : f32
    %gt3A_93 = vector.broadcast %gt3A : f32 to vector<512x4096xf32>
    %gt3A_94 = arith.cmpf ogt, %max3A_92, %gt3A_93 : vector<512x4096xf32>
    %jit3A = arith.constant 0x7F800000 : f32
    %broadcast_in_dim3A_95 = vector.broadcast %jit3A : f32 to vector<512x4096xf32>
    %select_n3A = arith.select %gt3A_94, %broadcast_in_dim3A_95, %max3A_92 : vector<512x4096xi1>, vector<512x4096xf32>
    %swap3A_96 = arith.constant 0 : index
    %swap3A_97 = arith.constant 0 : index
    %swap3A_98 = vector.load %arg6[%swap3A_96, %swap3A_97] : memref<512x4096xf32, #tpu.memory_space<vmem>>, vector<512x4096xf32>
    tpu.vector_store %arg6[%swap3A_96, %swap3A_97], %select_n3A {strides = array<i32>} : memref<512x4096xf32, #tpu.memory_space<vmem>>, vector<512x4096xf32>,
    %iota3A = tpu.iota {dimensions = array<i32: 1>} : vector<512x4096xi32>
    %iota3A_99 = tpu.iota {dimensions = array<i32: 1>} : vector<512x32xi32>
    %mul3A_100 = arith.constant 4096 : i32
    %mul3A_101 = arith.muli %arg0, %mul3A_100 : i32
    %broadcast_in_dim3A_102 = arith.constant 0 : i32
    %broadcast_in_dim3A_103 = vector.broadcast %broadcast_in_dim3A_102 : i32 to vector<512x32xi32>
    %broadcast_in_dim3A_104 = arith.constant 0 : i32
    %broadcast_in_dim3A_105 = vector.broadcast %broadcast_in_dim3A_104 : i32 to vector<512x1xi32>
    %scan3A = arith.constant 0 : i32
    %scan3A_106 = arith.constant 4 : i32
    %scan3A_107 = arith.addi %scan3A, %scan3A_106 : i32
    %scan3A_108 = arith.constant 1 : i32
    %scan3A_109:2 = scf.for %scan3A_117 = %scan3A to %scan3A_107 step %scan3A_108 iter_args(%scan3A_118 = %broadcast_in_dim3A_103, %scan3A_119 = %broadcast_in_dim3A_105) -> (vector<512x32xi32>, vector<512x1xi32>)  : i32 {
      %get3A_120 = arith.constant 0 : index
      %get3A_121 = arith.constant 0 : index
      %get3A_122 = vector.load %arg6[%get3A_120, %get3A_121] : memref<512x4096xf32, #tpu.memory_space<vmem>>, vector<512x4096xf32>
      %reduce_min3A = arith.constant dense<0x7F800000> : vector<512xf32>
      %reduce_min3A_123 = vector.multi_reduction <minimumf>, %get3A_122, %reduce_min3A [1] : vector<512x4096xf32> to vector<512xf32>
      %broadcast_in_dim3A_124 = vector.shape_cast %reduce_min3A_123 : vector<512xf32> to vector<512x1xf32>
      %eq3A = vector.broadcast %broadcast_in_dim3A_124 : vector<512x1xf32> to vector<512x4096xf32>
      %eq3A_125 = arith.cmpf oeq, %get3A_122, %eq3A : vector<512x4096xf32>
      %jit3A_126 = arith.constant 4096 : i32
      %broadcast_in_dim3A_127 = vector.broadcast %jit3A_126 : i32 to vector<512x4096xi32>
      %select_n3A_128 = arith.select %eq3A_125, %iota3A, %broadcast_in_dim3A_127 : vector<512x4096xi1>, vector<512x4096xi32>
      %reduce_min3A_129 = arith.constant dense<2147483647> : vector<512xi32>
      %reduce_min3A_130 = vector.multi_reduction <minsi>, %select_n3A_128, %reduce_min3A_129 [1] : vector<512x4096xi32> to vector<512xi32>
      %broadcast_in_dim3A_131 = vector.shape_cast %reduce_min3A_130 : vector<512xi32> to vector<512x1xi32>
      %eq3A_132 = arith.constant 0 : i32
      %eq3A_133 = arith.cmpi eq, %scan3A_117, %eq3A_132 : i32
      %and3A = arith.constant true
      %and3A_134 = arith.andi %eq3A_133, %and3A : i1
      %select_n3A_135 = arith.select %and3A_134, %broadcast_in_dim3A_131, %scan3A_119 : vector<512x1xi32>
      %eq3A_136 = arith.constant 0x7F800000 : f32
      %eq3A_137 = vector.broadcast %eq3A_136 : f32 to vector<512x1xf32>
      %eq3A_138 = arith.cmpf oeq, %broadcast_in_dim3A_124, %eq3A_137 : vector<512x1xf32>
      %select_n3A_139 = arith.select %eq3A_138, %select_n3A_135, %broadcast_in_dim3A_131 : vector<512x1xi1>, vector<512x1xi32>
      %add3A_140 = vector.broadcast %mul3A_101 : i32 to vector<512x1xi32>
      %add3A_141 = arith.addi %select_n3A_139, %add3A_140 : vector<512x1xi32>
      %mul3A_142 = arith.constant 8 : i32
      %mul3A_143 = arith.muli %scan3A_117, %mul3A_142 : i32
      %add3A_144 = arith.constant 0 : i32
      %add3A_145 = arith.addi %mul3A_143, %add3A_144 : i32
      %eq3A_146 = vector.broadcast %add3A_145 : i32 to vector<512x32xi32>
      %eq3A_147 = arith.cmpi eq, %iota3A_99, %eq3A_146 : vector<512x32xi32>
      %broadcast_in_dim3A_148 = vector.shape_cast %add3A_141 : vector<512x1xi32> to vector<512x1xi32>
      %broadcast_in_dim3A_149 = vector.broadcast %broadcast_in_dim3A_148 : vector<512x1xi32> to vector<512x32xi32>
      %select_n3A_150 = arith.select %eq3A_147, %broadcast_in_dim3A_149, %scan3A_118 : vector<512x32xi1>, vector<512x32xi32>
      %eq3A_151 = vector.broadcast %broadcast_in_dim3A_131 : vector<512x1xi32> to vector<512x4096xi32>
      %eq3A_152 = arith.cmpi eq, %iota3A, %eq3A_151 : vector<512x4096xi32>
      %jit3A_153 = arith.constant 0x7F800000 : f32
      %broadcast_in_dim3A_154 = vector.broadcast %jit3A_153 : f32 to vector<512x4096xf32>
      %select_n3A_155 = arith.select %eq3A_152, %broadcast_in_dim3A_154, %get3A_122 : vector<512x4096xi1>, vector<512x4096xf32>
      %reduce_min3A_156 = arith.constant dense<0x7F800000> : vector<512xf32>
      %reduce_min3A_157 = vector.multi_reduction <minimumf>, %select_n3A_155, %reduce_min3A_156 [1] : vector<512x4096xf32> to vector<512xf32>
      %broadcast_in_dim3A_158 = vector.shape_cast %reduce_min3A_157 : vector<512xf32> to vector<512x1xf32>
      %eq3A_159 = vector.broadcast %broadcast_in_dim3A_158 : vector<512x1xf32> to vector<512x4096xf32>
      %eq3A_160 = arith.cmpf oeq, %select_n3A_155, %eq3A_159 : vector<512x4096xf32>
      %jit3A_161 = arith.constant 4096 : i32
      %broadcast_in_dim3A_162 = vector.broadcast %jit3A_161 : i32 to vector<512x4096xi32>
      %select_n3A_163 = arith.select %eq3A_160, %iota3A, %broadcast_in_dim3A_162 : vector<512x4096xi1>, vector<512x4096xi32>
      %reduce_min3A_164 = arith.constant dense<2147483647> : vector<512xi32>
      %reduce_min3A_165 = vector.multi_reduction <minsi>, %select_n3A_163, %reduce_min3A_164 [1] : vector<512x4096xi32> to vector<512xi32>
      %broadcast_in_dim3A_166 = vector.shape_cast %reduce_min3A_165 : vector<512xi32> to vector<512x1xi32>
      %eq3A_167 = arith.constant 0 : i32
      %eq3A_168 = arith.cmpi eq, %scan3A_117, %eq3A_167 : i32
      %and3A_169 = arith.constant false
      %and3A_170 = arith.andi %eq3A_168, %and3A_169 : i1
      %select_n3A_171 = arith.select %and3A_170, %broadcast_in_dim3A_166, %select_n3A_135 : vector<512x1xi32>
      %eq3A_172 = arith.constant 0x7F800000 : f32
      %eq3A_173 = vector.broadcast %eq3A_172 : f32 to vector<512x1xf32>
      %eq3A_174 = arith.cmpf oeq, %broadcast_in_dim3A_158, %eq3A_173 : vector<512x1xf32>
      %select_n3A_175 = arith.select %eq3A_174, %select_n3A_171, %broadcast_in_dim3A_166 : vector<512x1xi1>, vector<512x1xi32>
      %add3A_176 = vector.broadcast %mul3A_101 : i32 to vector<512x1xi32>
      %add3A_177 = arith.addi %select_n3A_175, %add3A_176 : vector<512x1xi32>
      %mul3A_178 = arith.constant 8 : i32
      %mul3A_179 = arith.muli %scan3A_117, %mul3A_178 : i32
      %add3A_180 = arith.constant 1 : i32
      %add3A_181 = arith.addi %mul3A_179, %add3A_180 : i32
      %eq3A_182 = vector.broadcast %add3A_181 : i32 to vector<512x32xi32>
      %eq3A_183 = arith.cmpi eq, %iota3A_99, %eq3A_182 : vector<512x32xi32>
      %broadcast_in_dim3A_184 = vector.shape_cast %add3A_177 : vector<512x1xi32> to vector<512x1xi32>
      %broadcast_in_dim3A_185 = vector.broadcast %broadcast_in_dim3A_184 : vector<512x1xi32> to vector<512x32xi32>
      %select_n3A_186 = arith.select %eq3A_183, %broadcast_in_dim3A_185, %select_n3A_150 : vector<512x32xi1>, vector<512x32xi32>
      %eq3A_187 = vector.broadcast %broadcast_in_dim3A_166 : vector<512x1xi32> to vector<512x4096xi32>
      %eq3A_188 = arith.cmpi eq, %iota3A, %eq3A_187 : vector<512x4096xi32>
      %jit3A_189 = arith.constant 0x7F800000 : f32
      %broadcast_in_dim3A_190 = vector.broadcast %jit3A_189 : f32 to vector<512x4096xf32>
      %select_n3A_191 = arith.select %eq3A_188, %broadcast_in_dim3A_190, %select_n3A_155 : vector<512x4096xi1>, vector<512x4096xf32>
      %reduce_min3A_192 = arith.constant dense<0x7F800000> : vector<512xf32>
      %reduce_min3A_193 = vector.multi_reduction <minimumf>, %select_n3A_191, %reduce_min3A_192 [1] : vector<512x4096xf32> to vector<512xf32>
      %broadcast_in_dim3A_194 = vector.shape_cast %reduce_min3A_193 : vector<512xf32> to vector<512x1xf32>
      %eq3A_195 = vector.broadcast %broadcast_in_dim3A_194 : vector<512x1xf32> to vector<512x4096xf32>
      %eq3A_196 = arith.cmpf oeq, %select_n3A_191, %eq3A_195 : vector<512x4096xf32>
      %jit3A_197 = arith.constant 4096 : i32
      %broadcast_in_dim3A_198 = vector.broadcast %jit3A_197 : i32 to vector<512x4096xi32>
      %select_n3A_199 = arith.select %eq3A_196, %iota3A, %broadcast_in_dim3A_198 : vector<512x4096xi1>, vector<512x4096xi32>
      %reduce_min3A_200 = arith.constant dense<2147483647> : vector<512xi32>
      %reduce_min3A_201 = vector.multi_reduction <minsi>, %select_n3A_199, %reduce_min3A_200 [1] : vector<512x4096xi32> to vector<512xi32>
      %broadcast_in_dim3A_202 = vector.shape_cast %reduce_min3A_201 : vector<512xi32> to vector<512x1xi32>
      %eq3A_203 = arith.constant 0 : i32
      %eq3A_204 = arith.cmpi eq, %scan3A_117, %eq3A_203 : i32
      %and3A_205 = arith.constant false
      %and3A_206 = arith.andi %eq3A_204, %and3A_205 : i1
      %select_n3A_207 = arith.select %and3A_206, %broadcast_in_dim3A_202, %select_n3A_171 : vector<512x1xi32>
      %eq3A_208 = arith.constant 0x7F800000 : f32
      %eq3A_209 = vector.broadcast %eq3A_208 : f32 to vector<512x1xf32>
      %eq3A_210 = arith.cmpf oeq, %broadcast_in_dim3A_194, %eq3A_209 : vector<512x1xf32>
      %select_n3A_211 = arith.select %eq3A_210, %select_n3A_207, %broadcast_in_dim3A_202 : vector<512x1xi1>, vector<512x1xi32>
      %add3A_212 = vector.broadcast %mul3A_101 : i32 to vector<512x1xi32>
      %add3A_213 = arith.addi %select_n3A_211, %add3A_212 : vector<512x1xi32>
      %mul3A_214 = arith.constant 8 : i32
      %mul3A_215 = arith.muli %scan3A_117, %mul3A_214 : i32
      %add3A_216 = arith.constant 2 : i32
      %add3A_217 = arith.addi %mul3A_215, %add3A_216 : i32
      %eq3A_218 = vector.broadcast %add3A_217 : i32 to vector<512x32xi32>
      %eq3A_219 = arith.cmpi eq, %iota3A_99, %eq3A_218 : vector<512x32xi32>
      %broadcast_in_dim3A_220 = vector.shape_cast %add3A_213 : vector<512x1xi32> to vector<512x1xi32>
      %broadcast_in_dim3A_221 = vector.broadcast %broadcast_in_dim3A_220 : vector<512x1xi32> to vector<512x32xi32>
      %select_n3A_222 = arith.select %eq3A_219, %broadcast_in_dim3A_221, %select_n3A_186 : vector<512x32xi1>, vector<512x32xi32>
      %eq3A_223 = vector.broadcast %broadcast_in_dim3A_202 : vector<512x1xi32> to vector<512x4096xi32>
      %eq3A_224 = arith.cmpi eq, %iota3A, %eq3A_223 : vector<512x4096xi32>
      %jit3A_225 = arith.constant 0x7F800000 : f32
      %broadcast_in_dim3A_226 = vector.broadcast %jit3A_225 : f32 to vector<512x4096xf32>
      %select_n3A_227 = arith.select %eq3A_224, %broadcast_in_dim3A_226, %select_n3A_191 : vector<512x4096xi1>, vector<512x4096xf32>
      %reduce_min3A_228 = arith.constant dense<0x7F800000> : vector<512xf32>
      %reduce_min3A_229 = vector.multi_reduction <minimumf>, %select_n3A_227, %reduce_min3A_228 [1] : vector<512x4096xf32> to vector<512xf32>
      %broadcast_in_dim3A_230 = vector.shape_cast %reduce_min3A_229 : vector<512xf32> to vector<512x1xf32>
      %eq3A_231 = vector.broadcast %broadcast_in_dim3A_230 : vector<512x1xf32> to vector<512x4096xf32>
      %eq3A_232 = arith.cmpf oeq, %select_n3A_227, %eq3A_231 : vector<512x4096xf32>
      %jit3A_233 = arith.constant 4096 : i32
      %broadcast_in_dim3A_234 = vector.broadcast %jit3A_233 : i32 to vector<512x4096xi32>
      %select_n3A_235 = arith.select %eq3A_232, %iota3A, %broadcast_in_dim3A_234 : vector<512x4096xi1>, vector<512x4096xi32>
      %reduce_min3A_236 = arith.constant dense<2147483647> : vector<512xi32>
      %reduce_min3A_237 = vector.multi_reduction <minsi>, %select_n3A_235, %reduce_min3A_236 [1] : vector<512x4096xi32> to vector<512xi32>
      %broadcast_in_dim3A_238 = vector.shape_cast %reduce_min3A_237 : vector<512xi32> to vector<512x1xi32>
      %eq3A_239 = arith.constant 0 : i32
      %eq3A_240 = arith.cmpi eq, %scan3A_117, %eq3A_239 : i32
      %and3A_241 = arith.constant false
      %and3A_242 = arith.andi %eq3A_240, %and3A_241 : i1
      %select_n3A_243 = arith.select %and3A_242, %broadcast_in_dim3A_238, %select_n3A_207 : vector<512x1xi32>
      %eq3A_244 = arith.constant 0x7F800000 : f32
      %eq3A_245 = vector.broadcast %eq3A_244 : f32 to vector<512x1xf32>
      %eq3A_246 = arith.cmpf oeq, %broadcast_in_dim3A_230, %eq3A_245 : vector<512x1xf32>
      %select_n3A_247 = arith.select %eq3A_246, %select_n3A_243, %broadcast_in_dim3A_238 : vector<512x1xi1>, vector<512x1xi32>
      %add3A_248 = vector.broadcast %mul3A_101 : i32 to vector<512x1xi32>
      %add3A_249 = arith.addi %select_n3A_247, %add3A_248 : vector<512x1xi32>
      %mul3A_250 = arith.constant 8 : i32
      %mul3A_251 = arith.muli %scan3A_117, %mul3A_250 : i32
      %add3A_252 = arith.constant 3 : i32
      %add3A_253 = arith.addi %mul3A_251, %add3A_252 : i32
      %eq3A_254 = vector.broadcast %add3A_253 : i32 to vector<512x32xi32>
      %eq3A_255 = arith.cmpi eq, %iota3A_99, %eq3A_254 : vector<512x32xi32>
      %broadcast_in_dim3A_256 = vector.shape_cast %add3A_249 : vector<512x1xi32> to vector<512x1xi32>
      %broadcast_in_dim3A_257 = vector.broadcast %broadcast_in_dim3A_256 : vector<512x1xi32> to vector<512x32xi32>
      %select_n3A_258 = arith.select %eq3A_255, %broadcast_in_dim3A_257, %select_n3A_222 : vector<512x32xi1>, vector<512x32xi32>
      %eq3A_259 = vector.broadcast %broadcast_in_dim3A_238 : vector<512x1xi32> to vector<512x4096xi32>
      %eq3A_260 = arith.cmpi eq, %iota3A, %eq3A_259 : vector<512x4096xi32>
      %jit3A_261 = arith.constant 0x7F800000 : f32
      %broadcast_in_dim3A_262 = vector.broadcast %jit3A_261 : f32 to vector<512x4096xf32>
      %select_n3A_263 = arith.select %eq3A_260, %broadcast_in_dim3A_262, %select_n3A_227 : vector<512x4096xi1>, vector<512x4096xf32>
      %reduce_min3A_264 = arith.constant dense<0x7F800000> : vector<512xf32>
      %reduce_min3A_265 = vector.multi_reduction <minimumf>, %select_n3A_263, %reduce_min3A_264 [1] : vector<512x4096xf32> to vector<512xf32>
      %broadcast_in_dim3A_266 = vector.shape_cast %reduce_min3A_265 : vector<512xf32> to vector<512x1xf32>
      %eq3A_267 = vector.broadcast %broadcast_in_dim3A_266 : vector<512x1xf32> to vector<512x4096xf32>
      %eq3A_268 = arith.cmpf oeq, %select_n3A_263, %eq3A_267 : vector<512x4096xf32>
      %jit3A_269 = arith.constant 4096 : i32
      %broadcast_in_dim3A_270 = vector.broadcast %jit3A_269 : i32 to vector<512x4096xi32>
      %select_n3A_271 = arith.select %eq3A_268, %iota3A, %broadcast_in_dim3A_270 : vector<512x4096xi1>, vector<512x4096xi32>
      %reduce_min3A_272 = arith.constant dense<2147483647> : vector<512xi32>
      %reduce_min3A_273 = vector.multi_reduction <minsi>, %select_n3A_271, %reduce_min3A_272 [1] : vector<512x4096xi32> to vector<512xi32>
      %broadcast_in_dim3A_274 = vector.shape_cast %reduce_min3A_273 : vector<512xi32> to vector<512x1xi32>
      %eq3A_275 = arith.constant 0 : i32
      %eq3A_276 = arith.cmpi eq, %scan3A_117, %eq3A_275 : i32
      %and3A_277 = arith.constant false
      %and3A_278 = arith.andi %eq3A_276, %and3A_277 : i1
      %select_n3A_279 = arith.select %and3A_278, %broadcast_in_dim3A_274, %select_n3A_243 : vector<512x1xi32>
      %eq3A_280 = arith.constant 0x7F800000 : f32
      %eq3A_281 = vector.broadcast %eq3A_280 : f32 to vector<512x1xf32>
      %eq3A_282 = arith.cmpf oeq, %broadcast_in_dim3A_266, %eq3A_281 : vector<512x1xf32>
      %select_n3A_283 = arith.select %eq3A_282, %select_n3A_279, %broadcast_in_dim3A_274 : vector<512x1xi1>, vector<512x1xi32>
      %add3A_284 = vector.broadcast %mul3A_101 : i32 to vector<512x1xi32>
      %add3A_285 = arith.addi %select_n3A_283, %add3A_284 : vector<512x1xi32>
      %mul3A_286 = arith.constant 8 : i32
      %mul3A_287 = arith.muli %scan3A_117, %mul3A_286 : i32
      %add3A_288 = arith.constant 4 : i32
      %add3A_289 = arith.addi %mul3A_287, %add3A_288 : i32
      %eq3A_290 = vector.broadcast %add3A_289 : i32 to vector<512x32xi32>
      %eq3A_291 = arith.cmpi eq, %iota3A_99, %eq3A_290 : vector<512x32xi32>
      %broadcast_in_dim3A_292 = vector.shape_cast %add3A_285 : vector<512x1xi32> to vector<512x1xi32>
      %broadcast_in_dim3A_293 = vector.broadcast %broadcast_in_dim3A_292 : vector<512x1xi32> to vector<512x32xi32>
      %select_n3A_294 = arith.select %eq3A_291, %broadcast_in_dim3A_293, %select_n3A_258 : vector<512x32xi1>, vector<512x32xi32>
      %eq3A_295 = vector.broadcast %broadcast_in_dim3A_274 : vector<512x1xi32> to vector<512x4096xi32>
      %eq3A_296 = arith.cmpi eq, %iota3A, %eq3A_295 : vector<512x4096xi32>
      %jit3A_297 = arith.constant 0x7F800000 : f32
      %broadcast_in_dim3A_298 = vector.broadcast %jit3A_297 : f32 to vector<512x4096xf32>
      %select_n3A_299 = arith.select %eq3A_296, %broadcast_in_dim3A_298, %select_n3A_263 : vector<512x4096xi1>, vector<512x4096xf32>
      %reduce_min3A_300 = arith.constant dense<0x7F800000> : vector<512xf32>
      %reduce_min3A_301 = vector.multi_reduction <minimumf>, %select_n3A_299, %reduce_min3A_300 [1] : vector<512x4096xf32> to vector<512xf32>
      %broadcast_in_dim3A_302 = vector.shape_cast %reduce_min3A_301 : vector<512xf32> to vector<512x1xf32>
      %eq3A_303 = vector.broadcast %broadcast_in_dim3A_302 : vector<512x1xf32> to vector<512x4096xf32>
      %eq3A_304 = arith.cmpf oeq, %select_n3A_299, %eq3A_303 : vector<512x4096xf32>
      %jit3A_305 = arith.constant 4096 : i32
      %broadcast_in_dim3A_306 = vector.broadcast %jit3A_305 : i32 to vector<512x4096xi32>
      %select_n3A_307 = arith.select %eq3A_304, %iota3A, %broadcast_in_dim3A_306 : vector<512x4096xi1>, vector<512x4096xi32>
      %reduce_min3A_308 = arith.constant dense<2147483647> : vector<512xi32>
      %reduce_min3A_309 = vector.multi_reduction <minsi>, %select_n3A_307, %reduce_min3A_308 [1] : vector<512x4096xi32> to vector<512xi32>
      %broadcast_in_dim3A_310 = vector.shape_cast %reduce_min3A_309 : vector<512xi32> to vector<512x1xi32>
      %eq3A_311 = arith.constant 0 : i32
      %eq3A_312 = arith.cmpi eq, %scan3A_117, %eq3A_311 : i32
      %and3A_313 = arith.constant false
      %and3A_314 = arith.andi %eq3A_312, %and3A_313 : i1
      %select_n3A_315 = arith.select %and3A_314, %broadcast_in_dim3A_310, %select_n3A_279 : vector<512x1xi32>
      %eq3A_316 = arith.constant 0x7F800000 : f32
      %eq3A_317 = vector.broadcast %eq3A_316 : f32 to vector<512x1xf32>
      %eq3A_318 = arith.cmpf oeq, %broadcast_in_dim3A_302, %eq3A_317 : vector<512x1xf32>
      %select_n3A_319 = arith.select %eq3A_318, %select_n3A_315, %broadcast_in_dim3A_310 : vector<512x1xi1>, vector<512x1xi32>
      %add3A_320 = vector.broadcast %mul3A_101 : i32 to vector<512x1xi32>
      %add3A_321 = arith.addi %select_n3A_319, %add3A_320 : vector<512x1xi32>
      %mul3A_322 = arith.constant 8 : i32
      %mul3A_323 = arith.muli %scan3A_117, %mul3A_322 : i32
      %add3A_324 = arith.constant 5 : i32
      %add3A_325 = arith.addi %mul3A_323, %add3A_324 : i32
      %eq3A_326 = vector.broadcast %add3A_325 : i32 to vector<512x32xi32>
      %eq3A_327 = arith.cmpi eq, %iota3A_99, %eq3A_326 : vector<512x32xi32>
      %broadcast_in_dim3A_328 = vector.shape_cast %add3A_321 : vector<512x1xi32> to vector<512x1xi32>
      %broadcast_in_dim3A_329 = vector.broadcast %broadcast_in_dim3A_328 : vector<512x1xi32> to vector<512x32xi32>
      %select_n3A_330 = arith.select %eq3A_327, %broadcast_in_dim3A_329, %select_n3A_294 : vector<512x32xi1>, vector<512x32xi32>
      %eq3A_331 = vector.broadcast %broadcast_in_dim3A_310 : vector<512x1xi32> to vector<512x4096xi32>
      %eq3A_332 = arith.cmpi eq, %iota3A, %eq3A_331 : vector<512x4096xi32>
      %jit3A_333 = arith.constant 0x7F800000 : f32
      %broadcast_in_dim3A_334 = vector.broadcast %jit3A_333 : f32 to vector<512x4096xf32>
      %select_n3A_335 = arith.select %eq3A_332, %broadcast_in_dim3A_334, %select_n3A_299 : vector<512x4096xi1>, vector<512x4096xf32>
      %reduce_min3A_336 = arith.constant dense<0x7F800000> : vector<512xf32>
      %reduce_min3A_337 = vector.multi_reduction <minimumf>, %select_n3A_335, %reduce_min3A_336 [1] : vector<512x4096xf32> to vector<512xf32>
      %broadcast_in_dim3A_338 = vector.shape_cast %reduce_min3A_337 : vector<512xf32> to vector<512x1xf32>
      %eq3A_339 = vector.broadcast %broadcast_in_dim3A_338 : vector<512x1xf32> to vector<512x4096xf32>
      %eq3A_340 = arith.cmpf oeq, %select_n3A_335, %eq3A_339 : vector<512x4096xf32>
      %jit3A_341 = arith.constant 4096 : i32
      %broadcast_in_dim3A_342 = vector.broadcast %jit3A_341 : i32 to vector<512x4096xi32>
      %select_n3A_343 = arith.select %eq3A_340, %iota3A, %broadcast_in_dim3A_342 : vector<512x4096xi1>, vector<512x4096xi32>
      %reduce_min3A_344 = arith.constant dense<2147483647> : vector<512xi32>
      %reduce_min3A_345 = vector.multi_reduction <minsi>, %select_n3A_343, %reduce_min3A_344 [1] : vector<512x4096xi32> to vector<512xi32>
      %broadcast_in_dim3A_346 = vector.shape_cast %reduce_min3A_345 : vector<512xi32> to vector<512x1xi32>
      %eq3A_347 = arith.constant 0 : i32
      %eq3A_348 = arith.cmpi eq, %scan3A_117, %eq3A_347 : i32
      %and3A_349 = arith.constant false
      %and3A_350 = arith.andi %eq3A_348, %and3A_349 : i1
      %select_n3A_351 = arith.select %and3A_350, %broadcast_in_dim3A_346, %select_n3A_315 : vector<512x1xi32>
      %eq3A_352 = arith.constant 0x7F800000 : f32
      %eq3A_353 = vector.broadcast %eq3A_352 : f32 to vector<512x1xf32>
      %eq3A_354 = arith.cmpf oeq, %broadcast_in_dim3A_338, %eq3A_353 : vector<512x1xf32>
      %select_n3A_355 = arith.select %eq3A_354, %select_n3A_351, %broadcast_in_dim3A_346 : vector<512x1xi1>, vector<512x1xi32>
      %add3A_356 = vector.broadcast %mul3A_101 : i32 to vector<512x1xi32>
      %add3A_357 = arith.addi %select_n3A_355, %add3A_356 : vector<512x1xi32>
      %mul3A_358 = arith.constant 8 : i32
      %mul3A_359 = arith.muli %scan3A_117, %mul3A_358 : i32
      %add3A_360 = arith.constant 6 : i32
      %add3A_361 = arith.addi %mul3A_359, %add3A_360 : i32
      %eq3A_362 = vector.broadcast %add3A_361 : i32 to vector<512x32xi32>
      %eq3A_363 = arith.cmpi eq, %iota3A_99, %eq3A_362 : vector<512x32xi32>
      %broadcast_in_dim3A_364 = vector.shape_cast %add3A_357 : vector<512x1xi32> to vector<512x1xi32>
      %broadcast_in_dim3A_365 = vector.broadcast %broadcast_in_dim3A_364 : vector<512x1xi32> to vector<512x32xi32>
      %select_n3A_366 = arith.select %eq3A_363, %broadcast_in_dim3A_365, %select_n3A_330 : vector<512x32xi1>, vector<512x32xi32>
      %eq3A_367 = vector.broadcast %broadcast_in_dim3A_346 : vector<512x1xi32> to vector<512x4096xi32>
      %eq3A_368 = arith.cmpi eq, %iota3A, %eq3A_367 : vector<512x4096xi32>
      %jit3A_369 = arith.constant 0x7F800000 : f32
      %broadcast_in_dim3A_370 = vector.broadcast %jit3A_369 : f32 to vector<512x4096xf32>
      %select_n3A_371 = arith.select %eq3A_368, %broadcast_in_dim3A_370, %select_n3A_335 : vector<512x4096xi1>, vector<512x4096xf32>
      %reduce_min3A_372 = arith.constant dense<0x7F800000> : vector<512xf32>
      %reduce_min3A_373 = vector.multi_reduction <minimumf>, %select_n3A_371, %reduce_min3A_372 [1] : vector<512x4096xf32> to vector<512xf32>
      %broadcast_in_dim3A_374 = vector.shape_cast %reduce_min3A_373 : vector<512xf32> to vector<512x1xf32>
      %eq3A_375 = vector.broadcast %broadcast_in_dim3A_374 : vector<512x1xf32> to vector<512x4096xf32>
      %eq3A_376 = arith.cmpf oeq, %select_n3A_371, %eq3A_375 : vector<512x4096xf32>
      %jit3A_377 = arith.constant 4096 : i32
      %broadcast_in_dim3A_378 = vector.broadcast %jit3A_377 : i32 to vector<512x4096xi32>
      %select_n3A_379 = arith.select %eq3A_376, %iota3A, %broadcast_in_dim3A_378 : vector<512x4096xi1>, vector<512x4096xi32>
      %reduce_min3A_380 = arith.constant dense<2147483647> : vector<512xi32>
      %reduce_min3A_381 = vector.multi_reduction <minsi>, %select_n3A_379, %reduce_min3A_380 [1] : vector<512x4096xi32> to vector<512xi32>
      %broadcast_in_dim3A_382 = vector.shape_cast %reduce_min3A_381 : vector<512xi32> to vector<512x1xi32>
      %eq3A_383 = arith.constant 0 : i32
      %eq3A_384 = arith.cmpi eq, %scan3A_117, %eq3A_383 : i32
      %and3A_385 = arith.constant false
      %and3A_386 = arith.andi %eq3A_384, %and3A_385 : i1
      %select_n3A_387 = arith.select %and3A_386, %broadcast_in_dim3A_382, %select_n3A_351 : vector<512x1xi32>
      %eq3A_388 = arith.constant 0x7F800000 : f32
      %eq3A_389 = vector.broadcast %eq3A_388 : f32 to vector<512x1xf32>
      %eq3A_390 = arith.cmpf oeq, %broadcast_in_dim3A_374, %eq3A_389 : vector<512x1xf32>
      %select_n3A_391 = arith.select %eq3A_390, %select_n3A_387, %broadcast_in_dim3A_382 : vector<512x1xi1>, vector<512x1xi32>
      %add3A_392 = vector.broadcast %mul3A_101 : i32 to vector<512x1xi32>
      %add3A_393 = arith.addi %select_n3A_391, %add3A_392 : vector<512x1xi32>
      %mul3A_394 = arith.constant 8 : i32
      %mul3A_395 = arith.muli %scan3A_117, %mul3A_394 : i32
      %add3A_396 = arith.constant 7 : i32
      %add3A_397 = arith.addi %mul3A_395, %add3A_396 : i32
      %eq3A_398 = vector.broadcast %add3A_397 : i32 to vector<512x32xi32>
      %eq3A_399 = arith.cmpi eq, %iota3A_99, %eq3A_398 : vector<512x32xi32>
      %broadcast_in_dim3A_400 = vector.shape_cast %add3A_393 : vector<512x1xi32> to vector<512x1xi32>
      %broadcast_in_dim3A_401 = vector.broadcast %broadcast_in_dim3A_400 : vector<512x1xi32> to vector<512x32xi32>
      %select_n3A_402 = arith.select %eq3A_399, %broadcast_in_dim3A_401, %select_n3A_366 : vector<512x32xi1>, vector<512x32xi32>
      %eq3A_403 = vector.broadcast %broadcast_in_dim3A_382 : vector<512x1xi32> to vector<512x4096xi32>
      %eq3A_404 = arith.cmpi eq, %iota3A, %eq3A_403 : vector<512x4096xi32>
      %jit3A_405 = arith.constant 0x7F800000 : f32
      %broadcast_in_dim3A_406 = vector.broadcast %jit3A_405 : f32 to vector<512x4096xf32>
      %select_n3A_407 = arith.select %eq3A_404, %broadcast_in_dim3A_406, %select_n3A_371 : vector<512x4096xi1>, vector<512x4096xf32>
      %swap3A_408 = arith.constant 0 : index
      %swap3A_409 = arith.constant 0 : index
      %swap3A_410 = vector.load %arg6[%swap3A_408, %swap3A_409] : memref<512x4096xf32, #tpu.memory_space<vmem>>, vector<512x4096xf32>
      tpu.vector_store %arg6[%swap3A_408, %swap3A_409], %select_n3A_407 {strides = array<i32>} : memref<512x4096xf32, #tpu.memory_space<vmem>>, vector<512x4096xf32>,
      scf.yield %select_n3A_402, %select_n3A_387 : vector<512x32xi32>, vector<512x1xi32>
    }
    %scan3A_110 = arith.constant 4 : i32
    %swap3A_111 = arith.constant 0 : index
    %swap3A_112 = arith.constant 0 : index
    %swap3A_113 = arith.constant 0 : index
    %swap3A_114 = vector.load %arg4[%swap3A_111, %swap3A_112, %swap3A_113] : memref<1x512x32xi32, #tpu.memory_space<vmem>>, vector<1x512x32xi32>
    %swap3A_115 = vector.shape_cast %swap3A_114 : vector<1x512x32xi32> to vector<512x32xi32>
    %swap3A_116 = vector.shape_cast %scan3A_109#0 : vector<512x32xi32> to vector<1x512x32xi32>
    tpu.vector_store %arg4[%swap3A_111, %swap3A_112, %swap3A_113], %swap3A_116 {strides = array<i32>} : memref<1x512x32xi32, #tpu.memory_space<vmem>>, vector<1x512x32xi32>,
    return
  }
  func.func @transform_0(%arg0: i32) -> (i32, i32, i32) {
    %c0_i32 = arith.constant 0 : i32
    %c0_i32_0 = arith.constant 0 : i32
    %c0_i32_1 = arith.constant 0 : i32
    return %arg0, %c0_i32, %c0_i32_0 : i32, i32, i32
  }
  func.func @transform_1(%arg0: i32) -> (i32, i32, i32, i32) {
    %c0_i32 = arith.constant 0 : i32
    %c0_i32_0 = arith.constant 0 : i32
    %c0_i32_1 = arith.constant 0 : i32
    %c0_i32_2 = arith.constant 0 : i32
    return %c0_i32, %arg0, %c0_i32_0, %c0_i32_1 : i32, i32, i32, i32
  }
  func.func @transform_2(%arg0: i32) -> (i32, i32) {
    %c0_i32 = arith.constant 0 : i32
    %c0_i32_0 = arith.constant 0 : i32
    %c0_i32_1 = arith.constant 0 : i32
    return %c0_i32, %c0_i32_0 : i32, i32
  }
  func.func @transform_3(%arg0: i32) -> (i32, i32, i32) {
    %c0_i32 = arith.constant 0 : i32
    %c0_i32_0 = arith.constant 0 : i32
    %c0_i32_1 = arith.constant 0 : i32
    return %arg0, %c0_i32, %c0_i32_0 : i32, i32, i32
  }
  func.func @transform_4(%arg0: i32) -> (i32, i32, i32) {
    %c0_i32 = arith.constant 0 : i32
    %c0_i32_0 = arith.constant 0 : i32
    %c0_i32_1 = arith.constant 0 : i32
    return %arg0, %c0_i32, %c0_i32_0 : i32, i32, i32
  }
}

module attributes {stable_mosaic.version = 14 : i64} {
  func.func @_mm1_body(%arg0: i32, %arg1: memref<4096x131xf32, #tpu.memory_space<vmem>>, %arg2: memref<131x128xf32, #tpu.memory_space<vmem>>, %arg3: memref<1x128xf32, #tpu.memory_space<vmem>>, %arg4: memref<4096x128xf32, #tpu.memory_space<vmem>>) attributes {dimension_semantics = [#tpu.dimension_semantics<arbitrary>], iteration_bounds = array<i64: 8>, scalar_prefetch = 0 : i64, scratch_operands = 0 : i64, tpu.core_type = #tpu.core_type<tc>, window_params = [{transform_indices = @transform_0, window_bounds = array<i64: 4096, 131>}, {pipeline_mode = #tpu.pipeline_mode<synchronous>, transform_indices = @transform_1, window_bounds = array<i64: 131, 128>}, {pipeline_mode = #tpu.pipeline_mode<synchronous>, transform_indices = @transform_2, window_bounds = array<i64: 1, 128>}, {transform_indices = @transform_3, window_bounds = array<i64: 4096, 128>}]} {
    %get3A = arith.constant 0 : index
    %get3A_0 = arith.constant 0 : index
    %get3A_1 = vector.load %arg1[%get3A, %get3A_0] : memref<4096x131xf32, #tpu.memory_space<vmem>>, vector<4096x131xf32>
    %get3A_2 = arith.constant 0 : index
    %get3A_3 = arith.constant 0 : index
    %get3A_4 = vector.load %arg2[%get3A_2, %get3A_3] : memref<131x128xf32, #tpu.memory_space<vmem>>, vector<131x128xf32>
    %dot_general3A = arith.constant dense<0.000000e+00> : vector<4096x128xf32>
    %dot_general3A_5 = tpu.matmul %get3A_1, %get3A_4, %dot_general3A {dimension_numbers = #tpu.dot_dimension_numbers<[1], [0], [0], [1], [0, 0, 1, 1], [], []>, transpose_lhs_hint = false} : vector<4096x131xf32>, vector<131x128xf32>, vector<4096x128xf32> -> vector<4096x128xf32>
    %get3A_6 = arith.constant 0 : index
    %get3A_7 = arith.constant 0 : index
    %get3A_8 = vector.load %arg3[%get3A_6, %get3A_7] : memref<1x128xf32, #tpu.memory_space<vmem>>, vector<1x128xf32>
    %add3A = vector.broadcast %get3A_8 : vector<1x128xf32> to vector<4096x128xf32>
    %add3A_9 = arith.addf %dot_general3A_5, %add3A : vector<4096x128xf32>
    %swap3A = arith.constant 0 : index
    %swap3A_10 = arith.constant 0 : index
    %swap3A_11 = vector.load %arg4[%swap3A, %swap3A_10] : memref<4096x128xf32, #tpu.memory_space<vmem>>, vector<4096x128xf32>
    tpu.vector_store %arg4[%swap3A, %swap3A_10], %add3A_9 {strides = array<i32>} : memref<4096x128xf32, #tpu.memory_space<vmem>>, vector<4096x128xf32>,
    return
  }
  func.func @transform_0(%arg0: i32) -> (i32, i32) {
    %c0_i32 = arith.constant 0 : i32
    %c0_i32_0 = arith.constant 0 : i32
    return %arg0, %c0_i32 : i32, i32
  }
  func.func @transform_1(%arg0: i32) -> (i32, i32) {
    %c0_i32 = arith.constant 0 : i32
    %c0_i32_0 = arith.constant 0 : i32
    %c0_i32_1 = arith.constant 0 : i32
    return %c0_i32, %c0_i32_0 : i32, i32
  }
  func.func @transform_2(%arg0: i32) -> (i32, i32) {
    %c0_i32 = arith.constant 0 : i32
    %c0_i32_0 = arith.constant 0 : i32
    %c0_i32_1 = arith.constant 0 : i32
    return %c0_i32, %c0_i32_0 : i32, i32
  }
  func.func @transform_3(%arg0: i32) -> (i32, i32) {
    %c0_i32 = arith.constant 0 : i32
    %c0_i32_0 = arith.constant 0 : i32
    return %arg0, %c0_i32 : i32, i32
  }
}

module attributes {stable_mosaic.version = 14 : i64} {
  func.func @_stats1_body(%arg0: i32, %arg1: memref<128x32x128xf32, #tpu.memory_space<vmem>>, %arg2: memref<128x128xf32, #tpu.memory_space<vmem>>, %arg3: memref<8x128xf32, #tpu.memory_space<vmem>>) attributes {dimension_semantics = [#tpu.dimension_semantics<arbitrary>], iteration_bounds = array<i64: 32>, scalar_prefetch = 0 : i64, scratch_operands = 0 : i64, tpu.core_type = #tpu.core_type<tc>, window_params = [{transform_indices = @transform_0, window_bounds = array<i64: 128, 32, 128>}, {transform_indices = @transform_1, window_bounds = array<i64: 128, 128>}, {pipeline_mode = #tpu.pipeline_mode<synchronous>, transform_indices = @transform_2, window_bounds = array<i64: 8, 128>}]} {
    %get3A = arith.constant 0 : index
    %get3A_0 = arith.constant 0 : index
    %get3A_1 = arith.constant 0 : index
    %get3A_2 = vector.load %arg1[%get3A, %get3A_0, %get3A_1] : memref<128x32x128xf32, #tpu.memory_space<vmem>>, vector<128x32x128xf32>
    %get3A_3 = arith.constant 0 : index
    %get3A_4 = arith.constant 0 : index
    %get3A_5 = vector.load %arg2[%get3A_3, %get3A_4] : memref<128x128xf32, #tpu.memory_space<vmem>>, vector<128x128xf32>
    %broadcast_in_dim3A = vector.shape_cast %get3A_5 : vector<128x128xf32> to vector<128x1x128xf32>
    %sub3A = vector.broadcast %broadcast_in_dim3A : vector<128x1x128xf32> to vector<128x32x128xf32>
    %sub3A_6 = arith.subf %get3A_2, %sub3A : vector<128x32x128xf32>
    %eq3A = arith.constant 0 : i32
    %eq3A_7 = arith.cmpi eq, %arg0, %eq3A : i32
    %convert_element_type3A = arith.extui %eq3A_7 : i1 to i32
    %cond3A = arith.constant 0 : i32
    %cond3A_8 = arith.cmpi ne, %convert_element_type3A, %cond3A : i32
    scf.if %cond3A_8 {
      %broadcast_in_dim3A_26 = arith.constant 0.000000e+00 : f32
      %broadcast_in_dim3A_27 = vector.broadcast %broadcast_in_dim3A_26 : f32 to vector<8x128xf32>
      %swap3A_28 = arith.constant 0 : index
      %swap3A_29 = arith.constant 0 : index
      %swap3A_30 = vector.load %arg3[%swap3A_28, %swap3A_29] : memref<8x128xf32, #tpu.memory_space<vmem>>, vector<8x128xf32>
      tpu.vector_store %arg3[%swap3A_28, %swap3A_29], %broadcast_in_dim3A_27 {strides = array<i32>} : memref<8x128xf32, #tpu.memory_space<vmem>>, vector<8x128xf32>,
    } else {
    }
    %get3A_9 = arith.constant 0 : index
    %get3A_10 = arith.constant 0 : index
    %get3A_11 = vector.load %arg3[%get3A_9, %get3A_10] : memref<8x128xf32, #tpu.memory_space<vmem>>, vector<1x128xf32>
    %reduce_sum3A = arith.constant dense<0.000000e+00> : vector<128xf32>
    %reduce_sum3A_12 = vector.multi_reduction <add>, %sub3A_6, %reduce_sum3A [0, 1] : vector<128x32x128xf32> to vector<128xf32>
    %broadcast_in_dim3A_13 = vector.shape_cast %reduce_sum3A_12 : vector<128xf32> to vector<1x128xf32>
    %add3A = arith.addf %get3A_11, %broadcast_in_dim3A_13 : vector<1x128xf32>
    %swap3A = arith.constant 0 : index
    %swap3A_14 = arith.constant 0 : index
    %swap3A_15 = vector.load %arg3[%swap3A, %swap3A_14] : memref<8x128xf32, #tpu.memory_space<vmem>>, vector<1x128xf32>
    tpu.vector_store %arg3[%swap3A, %swap3A_14], %add3A {strides = array<i32>} : memref<8x128xf32, #tpu.memory_space<vmem>>, vector<1x128xf32>,
    %get3A_16 = arith.constant 1 : index
    %get3A_17 = arith.constant 0 : index
    %get3A_18 = vector.load %arg3[%get3A_16, %get3A_17] : memref<8x128xf32, #tpu.memory_space<vmem>>, vector<1x128xf32>
    %mul3A = arith.mulf %sub3A_6, %sub3A_6 : vector<128x32x128xf32>
    %reduce_sum3A_19 = arith.constant dense<0.000000e+00> : vector<128xf32>
    %reduce_sum3A_20 = vector.multi_reduction <add>, %mul3A, %reduce_sum3A_19 [0, 1] : vector<128x32x128xf32> to vector<128xf32>
    %broadcast_in_dim3A_21 = vector.shape_cast %reduce_sum3A_20 : vector<128xf32> to vector<1x128xf32>
    %add3A_22 = arith.addf %get3A_18, %broadcast_in_dim3A_21 : vector<1x128xf32>
    %swap3A_23 = arith.constant 1 : index
    %swap3A_24 = arith.constant 0 : index
    %swap3A_25 = vector.load %arg3[%swap3A_23, %swap3A_24] : memref<8x128xf32, #tpu.memory_space<vmem>>, vector<1x128xf32>
    tpu.vector_store %arg3[%swap3A_23, %swap3A_24], %add3A_22 {strides = array<i32>} : memref<8x128xf32, #tpu.memory_space<vmem>>, vector<1x128xf32>,
    return
  }
  func.func @transform_0(%arg0: i32) -> (i32, i32, i32) {
    %c0_i32 = arith.constant 0 : i32
    %c0_i32_0 = arith.constant 0 : i32
    %c0_i32_1 = arith.constant 0 : i32
    return %arg0, %c0_i32, %c0_i32_0 : i32, i32, i32
  }
  func.func @transform_1(%arg0: i32) -> (i32, i32) {
    %c0_i32 = arith.constant 0 : i32
    %c0_i32_0 = arith.constant 0 : i32
    return %arg0, %c0_i32 : i32, i32
  }
  func.func @transform_2(%arg0: i32) -> (i32, i32) {
    %c0_i32 = arith.constant 0 : i32
    %c0_i32_0 = arith.constant 0 : i32
    %c0_i32_1 = arith.constant 0 : i32
    return %c0_i32, %c0_i32_0 : i32, i32
  }
}

module attributes {stable_mosaic.version = 14 : i64} {
  func.func @_mm2_body(%arg0: i32, %arg1: memref<128x32x128xf32, #tpu.memory_space<vmem>>, %arg2: memref<128x128xf32, #tpu.memory_space<vmem>>, %arg3: memref<8x128xf32, #tpu.memory_space<vmem>>, %arg4: memref<1x128xf32, #tpu.memory_space<vmem>>, %arg5: memref<1x128xf32, #tpu.memory_space<vmem>>, %arg6: memref<128x128xf32, #tpu.memory_space<vmem>>, %arg7: memref<1x128xf32, #tpu.memory_space<vmem>>, %arg8: memref<4096x128xbf16, #tpu.memory_space<vmem>>, %arg9: memref<8x128xf32, #tpu.memory_space<vmem>>) attributes {dimension_semantics = [#tpu.dimension_semantics<arbitrary>], iteration_bounds = array<i64: 32>, scalar_prefetch = 0 : i64, scratch_operands = 0 : i64, tpu.core_type = #tpu.core_type<tc>, window_params = [{transform_indices = @transform_0, window_bounds = array<i64: 128, 32, 128>}, {transform_indices = @transform_1, window_bounds = array<i64: 128, 128>}, {pipeline_mode = #tpu.pipeline_mode<synchronous>, transform_indices = @transform_2, window_bounds = array<i64: 8, 128>}, {pipeline_mode = #tpu.pipeline_mode<synchronous>, transform_indices = @transform_3, window_bounds = array<i64: 1, 128>}, {pipeline_mode = #tpu.pipeline_mode<synchronous>, transform_indices = @transform_4, window_bounds = array<i64: 1, 128>}, {pipeline_mode = #tpu.pipeline_mode<synchronous>, transform_indices = @transform_5, window_bounds = array<i64: 128, 128>}, {pipeline_mode = #tpu.pipeline_mode<synchronous>, transform_indices = @transform_6, window_bounds = array<i64: 1, 128>}, {transform_indices = @transform_7, window_bounds = array<i64: 4096, 128>}, {pipeline_mode = #tpu.pipeline_mode<synchronous>, transform_indices = @transform_8, window_bounds = array<i64: 8, 128>}]} {
    %get3A = arith.constant 0 : index
    %get3A_0 = arith.constant 0 : index
    %get3A_1 = vector.load %arg3[%get3A, %get3A_0] : memref<8x128xf32, #tpu.memory_space<vmem>>, vector<1x128xf32>
    %div3A = arith.constant 1.310720e+05 : f32
    %div3A_2 = vector.broadcast %div3A : f32 to vector<1x128xf32>
    %div3A_3 = arith.divf %get3A_1, %div3A_2 : vector<1x128xf32>
    %get3A_4 = arith.constant 1 : index
    %get3A_5 = arith.constant 0 : index
    %get3A_6 = vector.load %arg3[%get3A_4, %get3A_5] : memref<8x128xf32, #tpu.memory_space<vmem>>, vector<1x128xf32>
    %div3A_7 = arith.constant 1.310720e+05 : f32
    %div3A_8 = vector.broadcast %div3A_7 : f32 to vector<1x128xf32>
    %div3A_9 = arith.divf %get3A_6, %div3A_8 : vector<1x128xf32>
    %mul3A = arith.mulf %div3A_3, %div3A_3 : vector<1x128xf32>
    %sub3A = arith.subf %div3A_9, %mul3A : vector<1x128xf32>
    %get3A_10 = arith.constant 0 : index
    %get3A_11 = arith.constant 0 : index
    %get3A_12 = vector.load %arg4[%get3A_10, %get3A_11] : memref<1x128xf32, #tpu.memory_space<vmem>>, vector<1x128xf32>
    %add3A = arith.constant 9.99999974E-6 : f32
    %add3A_13 = vector.broadcast %add3A : f32 to vector<1x128xf32>
    %add3A_14 = arith.addf %sub3A, %add3A_13 : vector<1x128xf32>
    %sqrt3A = math.sqrt %add3A_14 : vector<1x128xf32>
    %div3A_15 = arith.divf %get3A_12, %sqrt3A : vector<1x128xf32>
    %get3A_16 = arith.constant 0 : index
    %get3A_17 = arith.constant 0 : index
    %get3A_18 = vector.load %arg5[%get3A_16, %get3A_17] : memref<1x128xf32, #tpu.memory_space<vmem>>, vector<1x128xf32>
    %mul3A_19 = arith.mulf %div3A_3, %div3A_15 : vector<1x128xf32>
    %sub3A_20 = arith.subf %get3A_18, %mul3A_19 : vector<1x128xf32>
    %reshape3A = vector.shape_cast %div3A_15 : vector<1x128xf32> to vector<1x1x128xf32>
    %reshape3A_21 = vector.shape_cast %sub3A_20 : vector<1x128xf32> to vector<1x1x128xf32>
    %get3A_22 = arith.constant 0 : index
    %get3A_23 = arith.constant 0 : index
    %get3A_24 = arith.constant 0 : index
    %get3A_25 = vector.load %arg1[%get3A_22, %get3A_23, %get3A_24] : memref<128x32x128xf32, #tpu.memory_space<vmem>>, vector<128x32x128xf32>
    %get3A_26 = arith.constant 0 : index
    %get3A_27 = arith.constant 0 : index
    %get3A_28 = vector.load %arg2[%get3A_26, %get3A_27] : memref<128x128xf32, #tpu.memory_space<vmem>>, vector<128x128xf32>
    %broadcast_in_dim3A = vector.shape_cast %get3A_28 : vector<128x128xf32> to vector<128x1x128xf32>
    %sub3A_29 = vector.broadcast %broadcast_in_dim3A : vector<128x1x128xf32> to vector<128x32x128xf32>
    %sub3A_30 = arith.subf %get3A_25, %sub3A_29 : vector<128x32x128xf32>
    %mul3A_31 = vector.broadcast %reshape3A : vector<1x1x128xf32> to vector<128x32x128xf32>
    %mul3A_32 = arith.mulf %sub3A_30, %mul3A_31 : vector<128x32x128xf32>
    %add3A_33 = vector.broadcast %reshape3A_21 : vector<1x1x128xf32> to vector<128x32x128xf32>
    %add3A_34 = arith.addf %mul3A_32, %add3A_33 : vector<128x32x128xf32>
    %max3A = arith.constant 0.000000e+00 : f32
    %max3A_35 = vector.broadcast %max3A : f32 to vector<128x32x128xf32>
    %max3A_36 = arith.maximumf %add3A_34, %max3A_35 : vector<128x32x128xf32>
    %reshape3A_37 = vector.shape_cast %max3A_36 : vector<128x32x128xf32> to vector<4096x128xf32>
    %get3A_38 = arith.constant 0 : index
    %get3A_39 = arith.constant 0 : index
    %get3A_40 = vector.load %arg6[%get3A_38, %get3A_39] : memref<128x128xf32, #tpu.memory_space<vmem>>, vector<128x128xf32>
    %dot_general3A = arith.constant dense<0.000000e+00> : vector<4096x128xf32>
    %dot_general3A_41 = tpu.matmul %reshape3A_37, %get3A_40, %dot_general3A {dimension_numbers = #tpu.dot_dimension_numbers<[1], [0], [0], [1], [0, 0, 1, 1], [], []>, transpose_lhs_hint = false} : vector<4096x128xf32>, vector<128x128xf32>, vector<4096x128xf32> -> vector<4096x128xf32>
    %get3A_42 = arith.constant 0 : index
    %get3A_43 = arith.constant 0 : index
    %get3A_44 = vector.load %arg7[%get3A_42, %get3A_43] : memref<1x128xf32, #tpu.memory_space<vmem>>, vector<1x128xf32>
    %add3A_45 = vector.broadcast %get3A_44 : vector<1x128xf32> to vector<4096x128xf32>
    %add3A_46 = arith.addf %dot_general3A_41, %add3A_45 : vector<4096x128xf32>
    %convert_element_type3A = arith.truncf %add3A_46 : vector<4096x128xf32> to vector<4096x128xbf16>
    %swap3A = arith.constant 0 : index
    %swap3A_47 = arith.constant 0 : index
    %swap3A_48 = vector.load %arg8[%swap3A, %swap3A_47] : memref<4096x128xbf16, #tpu.memory_space<vmem>>, vector<4096x128xbf16>
    tpu.vector_store %arg8[%swap3A, %swap3A_47], %convert_element_type3A {strides = array<i32>} : memref<4096x128xbf16, #tpu.memory_space<vmem>>, vector<4096x128xbf16>,
    %eq3A = arith.constant 0 : i32
    %eq3A_49 = arith.cmpi eq, %arg0, %eq3A : i32
    %convert_element_type3A_50 = arith.extui %eq3A_49 : i1 to i32
    %cond3A = arith.constant 0 : i32
    %cond3A_51 = arith.cmpi ne, %convert_element_type3A_50, %cond3A : i32
    scf.if %cond3A_51 {
      %broadcast_in_dim3A_72 = arith.constant 0.000000e+00 : f32
      %broadcast_in_dim3A_73 = vector.broadcast %broadcast_in_dim3A_72 : f32 to vector<8x128xf32>
      %swap3A_74 = arith.constant 0 : index
      %swap3A_75 = arith.constant 0 : index
      %swap3A_76 = vector.load %arg9[%swap3A_74, %swap3A_75] : memref<8x128xf32, #tpu.memory_space<vmem>>, vector<8x128xf32>
      tpu.vector_store %arg9[%swap3A_74, %swap3A_75], %broadcast_in_dim3A_73 {strides = array<i32>} : memref<8x128xf32, #tpu.memory_space<vmem>>, vector<8x128xf32>,
    } else {
    }
    %get3A_52 = arith.constant 0 : index
    %get3A_53 = arith.constant 0 : index
    %get3A_54 = vector.load %arg9[%get3A_52, %get3A_53] : memref<8x128xf32, #tpu.memory_space<vmem>>, vector<1x128xf32>
    %reduce_sum3A = arith.constant dense<0.000000e+00> : vector<128xf32>
    %reduce_sum3A_55 = vector.multi_reduction <add>, %add3A_46, %reduce_sum3A [0] : vector<4096x128xf32> to vector<128xf32>
    %broadcast_in_dim3A_56 = vector.shape_cast %reduce_sum3A_55 : vector<128xf32> to vector<1x128xf32>
    %add3A_57 = arith.addf %get3A_54, %broadcast_in_dim3A_56 : vector<1x128xf32>
    %swap3A_58 = arith.constant 0 : index
    %swap3A_59 = arith.constant 0 : index
    %swap3A_60 = vector.load %arg9[%swap3A_58, %swap3A_59] : memref<8x128xf32, #tpu.memory_space<vmem>>, vector<1x128xf32>
    tpu.vector_store %arg9[%swap3A_58, %swap3A_59], %add3A_57 {strides = array<i32>} : memref<8x128xf32, #tpu.memory_space<vmem>>, vector<1x128xf32>,
    %get3A_61 = arith.constant 1 : index
    %get3A_62 = arith.constant 0 : index
    %get3A_63 = vector.load %arg9[%get3A_61, %get3A_62] : memref<8x128xf32, #tpu.memory_space<vmem>>, vector<1x128xf32>
    %mul3A_64 = arith.mulf %add3A_46, %add3A_46 : vector<4096x128xf32>
    %reduce_sum3A_65 = arith.constant dense<0.000000e+00> : vector<128xf32>
    %reduce_sum3A_66 = vector.multi_reduction <add>, %mul3A_64, %reduce_sum3A_65 [0] : vector<4096x128xf32> to vector<128xf32>
    %broadcast_in_dim3A_67 = vector.shape_cast %reduce_sum3A_66 : vector<128xf32> to vector<1x128xf32>
    %add3A_68 = arith.addf %get3A_63, %broadcast_in_dim3A_67 : vector<1x128xf32>
    %swap3A_69 = arith.constant 1 : index
    %swap3A_70 = arith.constant 0 : index
    %swap3A_71 = vector.load %arg9[%swap3A_69, %swap3A_70] : memref<8x128xf32, #tpu.memory_space<vmem>>, vector<1x128xf32>
    tpu.vector_store %arg9[%swap3A_69, %swap3A_70], %add3A_68 {strides = array<i32>} : memref<8x128xf32, #tpu.memory_space<vmem>>, vector<1x128xf32>,
    return
  }
  func.func @transform_0(%arg0: i32) -> (i32, i32, i32) {
    %c0_i32 = arith.constant 0 : i32
    %c0_i32_0 = arith.constant 0 : i32
    %c0_i32_1 = arith.constant 0 : i32
    return %arg0, %c0_i32, %c0_i32_0 : i32, i32, i32
  }
  func.func @transform_1(%arg0: i32) -> (i32, i32) {
    %c0_i32 = arith.constant 0 : i32
    %c0_i32_0 = arith.constant 0 : i32
    return %arg0, %c0_i32 : i32, i32
  }
  func.func @transform_2(%arg0: i32) -> (i32, i32) {
    %c0_i32 = arith.constant 0 : i32
    %c0_i32_0 = arith.constant 0 : i32
    %c0_i32_1 = arith.constant 0 : i32
    return %c0_i32, %c0_i32_0 : i32, i32
  }
  func.func @transform_3(%arg0: i32) -> (i32, i32) {
    %c0_i32 = arith.constant 0 : i32
    %c0_i32_0 = arith.constant 0 : i32
    %c0_i32_1 = arith.constant 0 : i32
    return %c0_i32, %c0_i32_0 : i32, i32
  }
  func.func @transform_4(%arg0: i32) -> (i32, i32) {
    %c0_i32 = arith.constant 0 : i32
    %c0_i32_0 = arith.constant 0 : i32
    %c0_i32_1 = arith.constant 0 : i32
    return %c0_i32, %c0_i32_0 : i32, i32
  }
  func.func @transform_5(%arg0: i32) -> (i32, i32) {
    %c0_i32 = arith.constant 0 : i32
    %c0_i32_0 = arith.constant 0 : i32
    %c0_i32_1 = arith.constant 0 : i32
    return %c0_i32, %c0_i32_0 : i32, i32
  }
  func.func @transform_6(%arg0: i32) -> (i32, i32) {
    %c0_i32 = arith.constant 0 : i32
    %c0_i32_0 = arith.constant 0 : i32
    %c0_i32_1 = arith.constant 0 : i32
    return %c0_i32, %c0_i32_0 : i32, i32
  }
  func.func @transform_7(%arg0: i32) -> (i32, i32) {
    %c0_i32 = arith.constant 0 : i32
    %c0_i32_0 = arith.constant 0 : i32
    return %arg0, %c0_i32 : i32, i32
  }
  func.func @transform_8(%arg0: i32) -> (i32, i32) {
    %c0_i32 = arith.constant 0 : i32
    %c0_i32_0 = arith.constant 0 : i32
    %c0_i32_1 = arith.constant 0 : i32
    return %c0_i32, %c0_i32_0 : i32, i32
  }
}

module attributes {stable_mosaic.version = 14 : i64} {
  func.func @_mm3_body(%arg0: i32, %arg1: memref<4096x128xbf16, #tpu.memory_space<vmem>>, %arg2: memref<8x128xf32, #tpu.memory_space<vmem>>, %arg3: memref<1x128xf32, #tpu.memory_space<vmem>>, %arg4: memref<1x128xf32, #tpu.memory_space<vmem>>, %arg5: memref<128x256xf32, #tpu.memory_space<vmem>>, %arg6: memref<1x256xf32, #tpu.memory_space<vmem>>, %arg7: memref<4096x256xbf16, #tpu.memory_space<vmem>>, %arg8: memref<8x256xf32, #tpu.memory_space<vmem>>) attributes {dimension_semantics = [#tpu.dimension_semantics<arbitrary>], iteration_bounds = array<i64: 32>, scalar_prefetch = 0 : i64, scratch_operands = 0 : i64, tpu.core_type = #tpu.core_type<tc>, window_params = [{transform_indices = @transform_0, window_bounds = array<i64: 4096, 128>}, {pipeline_mode = #tpu.pipeline_mode<synchronous>, transform_indices = @transform_1, window_bounds = array<i64: 8, 128>}, {pipeline_mode = #tpu.pipeline_mode<synchronous>, transform_indices = @transform_2, window_bounds = array<i64: 1, 128>}, {pipeline_mode = #tpu.pipeline_mode<synchronous>, transform_indices = @transform_3, window_bounds = array<i64: 1, 128>}, {pipeline_mode = #tpu.pipeline_mode<synchronous>, transform_indices = @transform_4, window_bounds = array<i64: 128, 256>}, {pipeline_mode = #tpu.pipeline_mode<synchronous>, transform_indices = @transform_5, window_bounds = array<i64: 1, 256>}, {transform_indices = @transform_6, window_bounds = array<i64: 4096, 256>}, {pipeline_mode = #tpu.pipeline_mode<synchronous>, transform_indices = @transform_7, window_bounds = array<i64: 8, 256>}]} {
    %get3A = arith.constant 0 : index
    %get3A_0 = arith.constant 0 : index
    %get3A_1 = vector.load %arg2[%get3A, %get3A_0] : memref<8x128xf32, #tpu.memory_space<vmem>>, vector<1x128xf32>
    %div3A = arith.constant 1.310720e+05 : f32
    %div3A_2 = vector.broadcast %div3A : f32 to vector<1x128xf32>
    %div3A_3 = arith.divf %get3A_1, %div3A_2 : vector<1x128xf32>
    %get3A_4 = arith.constant 1 : index
    %get3A_5 = arith.constant 0 : index
    %get3A_6 = vector.load %arg2[%get3A_4, %get3A_5] : memref<8x128xf32, #tpu.memory_space<vmem>>, vector<1x128xf32>
    %div3A_7 = arith.constant 1.310720e+05 : f32
    %div3A_8 = vector.broadcast %div3A_7 : f32 to vector<1x128xf32>
    %div3A_9 = arith.divf %get3A_6, %div3A_8 : vector<1x128xf32>
    %mul3A = arith.mulf %div3A_3, %div3A_3 : vector<1x128xf32>
    %sub3A = arith.subf %div3A_9, %mul3A : vector<1x128xf32>
    %get3A_10 = arith.constant 0 : index
    %get3A_11 = arith.constant 0 : index
    %get3A_12 = vector.load %arg3[%get3A_10, %get3A_11] : memref<1x128xf32, #tpu.memory_space<vmem>>, vector<1x128xf32>
    %add3A = arith.constant 9.99999974E-6 : f32
    %add3A_13 = vector.broadcast %add3A : f32 to vector<1x128xf32>
    %add3A_14 = arith.addf %sub3A, %add3A_13 : vector<1x128xf32>
    %sqrt3A = math.sqrt %add3A_14 : vector<1x128xf32>
    %div3A_15 = arith.divf %get3A_12, %sqrt3A : vector<1x128xf32>
    %get3A_16 = arith.constant 0 : index
    %get3A_17 = arith.constant 0 : index
    %get3A_18 = vector.load %arg4[%get3A_16, %get3A_17] : memref<1x128xf32, #tpu.memory_space<vmem>>, vector<1x128xf32>
    %mul3A_19 = arith.mulf %div3A_3, %div3A_15 : vector<1x128xf32>
    %sub3A_20 = arith.subf %get3A_18, %mul3A_19 : vector<1x128xf32>
    %get3A_21 = arith.constant 0 : index
    %get3A_22 = arith.constant 0 : index
    %get3A_23 = vector.load %arg1[%get3A_21, %get3A_22] : memref<4096x128xbf16, #tpu.memory_space<vmem>>, vector<4096x128xbf16>
    %convert_element_type3A = arith.extf %get3A_23 : vector<4096x128xbf16> to vector<4096x128xf32>
    %mul3A_24 = vector.broadcast %div3A_15 : vector<1x128xf32> to vector<4096x128xf32>
    %mul3A_25 = arith.mulf %convert_element_type3A, %mul3A_24 : vector<4096x128xf32>
    %add3A_26 = vector.broadcast %sub3A_20 : vector<1x128xf32> to vector<4096x128xf32>
    %add3A_27 = arith.addf %mul3A_25, %add3A_26 : vector<4096x128xf32>
    %max3A = arith.constant 0.000000e+00 : f32
    %max3A_28 = vector.broadcast %max3A : f32 to vector<4096x128xf32>
    %max3A_29 = arith.maximumf %add3A_27, %max3A_28 : vector<4096x128xf32>
    %get3A_30 = arith.constant 0 : index
    %get3A_31 = arith.constant 0 : index
    %get3A_32 = vector.load %arg5[%get3A_30, %get3A_31] : memref<128x256xf32, #tpu.memory_space<vmem>>, vector<128x256xf32>
    %dot_general3A = arith.constant dense<0.000000e+00> : vector<4096x256xf32>
    %dot_general3A_33 = tpu.matmul %max3A_29, %get3A_32, %dot_general3A {dimension_numbers = #tpu.dot_dimension_numbers<[1], [0], [0], [1], [0, 0, 1, 1], [], []>, transpose_lhs_hint = false} : vector<4096x128xf32>, vector<128x256xf32>, vector<4096x256xf32> -> vector<4096x256xf32>
    %get3A_34 = arith.constant 0 : index
    %get3A_35 = arith.constant 0 : index
    %get3A_36 = vector.load %arg6[%get3A_34, %get3A_35] : memref<1x256xf32, #tpu.memory_space<vmem>>, vector<1x256xf32>
    %add3A_37 = vector.broadcast %get3A_36 : vector<1x256xf32> to vector<4096x256xf32>
    %add3A_38 = arith.addf %dot_general3A_33, %add3A_37 : vector<4096x256xf32>
    %convert_element_type3A_39 = arith.truncf %add3A_38 : vector<4096x256xf32> to vector<4096x256xbf16>
    %swap3A = arith.constant 0 : index
    %swap3A_40 = arith.constant 0 : index
    %swap3A_41 = vector.load %arg7[%swap3A, %swap3A_40] : memref<4096x256xbf16, #tpu.memory_space<vmem>>, vector<4096x256xbf16>
    tpu.vector_store %arg7[%swap3A, %swap3A_40], %convert_element_type3A_39 {strides = array<i32>} : memref<4096x256xbf16, #tpu.memory_space<vmem>>, vector<4096x256xbf16>,
    %eq3A = arith.constant 0 : i32
    %eq3A_42 = arith.cmpi eq, %arg0, %eq3A : i32
    %convert_element_type3A_43 = arith.extui %eq3A_42 : i1 to i32
    %cond3A = arith.constant 0 : i32
    %cond3A_44 = arith.cmpi ne, %convert_element_type3A_43, %cond3A : i32
    scf.if %cond3A_44 {
      %broadcast_in_dim3A_64 = arith.constant 0.000000e+00 : f32
      %broadcast_in_dim3A_65 = vector.broadcast %broadcast_in_dim3A_64 : f32 to vector<8x256xf32>
      %swap3A_66 = arith.constant 0 : index
      %swap3A_67 = arith.constant 0 : index
      %swap3A_68 = vector.load %arg8[%swap3A_66, %swap3A_67] : memref<8x256xf32, #tpu.memory_space<vmem>>, vector<8x256xf32>
      tpu.vector_store %arg8[%swap3A_66, %swap3A_67], %broadcast_in_dim3A_65 {strides = array<i32>} : memref<8x256xf32, #tpu.memory_space<vmem>>, vector<8x256xf32>,
    } else {
    }
    %get3A_45 = arith.constant 0 : index
    %get3A_46 = arith.constant 0 : index
    %get3A_47 = vector.load %arg8[%get3A_45, %get3A_46] : memref<8x256xf32, #tpu.memory_space<vmem>>, vector<1x256xf32>
    %reduce_sum3A = arith.constant dense<0.000000e+00> : vector<256xf32>
    %reduce_sum3A_48 = vector.multi_reduction <add>, %add3A_38, %reduce_sum3A [0] : vector<4096x256xf32> to vector<256xf32>
    %broadcast_in_dim3A = vector.shape_cast %reduce_sum3A_48 : vector<256xf32> to vector<1x256xf32>
    %add3A_49 = arith.addf %get3A_47, %broadcast_in_dim3A : vector<1x256xf32>
    %swap3A_50 = arith.constant 0 : index
    %swap3A_51 = arith.constant 0 : index
    %swap3A_52 = vector.load %arg8[%swap3A_50, %swap3A_51] : memref<8x256xf32, #tpu.memory_space<vmem>>, vector<1x256xf32>
    tpu.vector_store %arg8[%swap3A_50, %swap3A_51], %add3A_49 {strides = array<i32>} : memref<8x256xf32, #tpu.memory_space<vmem>>, vector<1x256xf32>,
    %get3A_53 = arith.constant 1 : index
    %get3A_54 = arith.constant 0 : index
    %get3A_55 = vector.load %arg8[%get3A_53, %get3A_54] : memref<8x256xf32, #tpu.memory_space<vmem>>, vector<1x256xf32>
    %mul3A_56 = arith.mulf %add3A_38, %add3A_38 : vector<4096x256xf32>
    %reduce_sum3A_57 = arith.constant dense<0.000000e+00> : vector<256xf32>
    %reduce_sum3A_58 = vector.multi_reduction <add>, %mul3A_56, %reduce_sum3A_57 [0] : vector<4096x256xf32> to vector<256xf32>
    %broadcast_in_dim3A_59 = vector.shape_cast %reduce_sum3A_58 : vector<256xf32> to vector<1x256xf32>
    %add3A_60 = arith.addf %get3A_55, %broadcast_in_dim3A_59 : vector<1x256xf32>
    %swap3A_61 = arith.constant 1 : index
    %swap3A_62 = arith.constant 0 : index
    %swap3A_63 = vector.load %arg8[%swap3A_61, %swap3A_62] : memref<8x256xf32, #tpu.memory_space<vmem>>, vector<1x256xf32>
    tpu.vector_store %arg8[%swap3A_61, %swap3A_62], %add3A_60 {strides = array<i32>} : memref<8x256xf32, #tpu.memory_space<vmem>>, vector<1x256xf32>,
    return
  }
  func.func @transform_0(%arg0: i32) -> (i32, i32) {
    %c0_i32 = arith.constant 0 : i32
    %c0_i32_0 = arith.constant 0 : i32
    return %arg0, %c0_i32 : i32, i32
  }
  func.func @transform_1(%arg0: i32) -> (i32, i32) {
    %c0_i32 = arith.constant 0 : i32
    %c0_i32_0 = arith.constant 0 : i32
    %c0_i32_1 = arith.constant 0 : i32
    return %c0_i32, %c0_i32_0 : i32, i32
  }
  func.func @transform_2(%arg0: i32) -> (i32, i32) {
    %c0_i32 = arith.constant 0 : i32
    %c0_i32_0 = arith.constant 0 : i32
    %c0_i32_1 = arith.constant 0 : i32
    return %c0_i32, %c0_i32_0 : i32, i32
  }
  func.func @transform_3(%arg0: i32) -> (i32, i32) {
    %c0_i32 = arith.constant 0 : i32
    %c0_i32_0 = arith.constant 0 : i32
    %c0_i32_1 = arith.constant 0 : i32
    return %c0_i32, %c0_i32_0 : i32, i32
  }
  func.func @transform_4(%arg0: i32) -> (i32, i32) {
    %c0_i32 = arith.constant 0 : i32
    %c0_i32_0 = arith.constant 0 : i32
    %c0_i32_1 = arith.constant 0 : i32
    return %c0_i32, %c0_i32_0 : i32, i32
  }
  func.func @transform_5(%arg0: i32) -> (i32, i32) {
    %c0_i32 = arith.constant 0 : i32
    %c0_i32_0 = arith.constant 0 : i32
    %c0_i32_1 = arith.constant 0 : i32
    return %c0_i32, %c0_i32_0 : i32, i32
  }
  func.func @transform_6(%arg0: i32) -> (i32, i32) {
    %c0_i32 = arith.constant 0 : i32
    %c0_i32_0 = arith.constant 0 : i32
    return %arg0, %c0_i32 : i32, i32
  }
  func.func @transform_7(%arg0: i32) -> (i32, i32) {
    %c0_i32 = arith.constant 0 : i32
    %c0_i32_0 = arith.constant 0 : i32
    %c0_i32_1 = arith.constant 0 : i32
    return %c0_i32, %c0_i32_0 : i32, i32
  }
}

module attributes {stable_mosaic.version = 14 : i64} {
  func.func @_final_body(%arg0: i32, %arg1: memref<128x32x256xbf16, #tpu.memory_space<vmem>>, %arg2: memref<8x256xf32, #tpu.memory_space<vmem>>, %arg3: memref<1x256xf32, #tpu.memory_space<vmem>>, %arg4: memref<1x256xf32, #tpu.memory_space<vmem>>, %arg5: memref<128x256xf32, #tpu.memory_space<vmem>>) attributes {dimension_semantics = [#tpu.dimension_semantics<arbitrary>], iteration_bounds = array<i64: 32>, scalar_prefetch = 0 : i64, scratch_operands = 0 : i64, tpu.core_type = #tpu.core_type<tc>, window_params = [{transform_indices = @transform_0, window_bounds = array<i64: 128, 32, 256>}, {pipeline_mode = #tpu.pipeline_mode<synchronous>, transform_indices = @transform_1, window_bounds = array<i64: 8, 256>}, {pipeline_mode = #tpu.pipeline_mode<synchronous>, transform_indices = @transform_2, window_bounds = array<i64: 1, 256>}, {pipeline_mode = #tpu.pipeline_mode<synchronous>, transform_indices = @transform_3, window_bounds = array<i64: 1, 256>}, {transform_indices = @transform_4, window_bounds = array<i64: 128, 256>}]} {
    %get3A = arith.constant 0 : index
    %get3A_0 = arith.constant 0 : index
    %get3A_1 = vector.load %arg2[%get3A, %get3A_0] : memref<8x256xf32, #tpu.memory_space<vmem>>, vector<1x256xf32>
    %div3A = arith.constant 1.310720e+05 : f32
    %div3A_2 = vector.broadcast %div3A : f32 to vector<1x256xf32>
    %div3A_3 = arith.divf %get3A_1, %div3A_2 : vector<1x256xf32>
    %get3A_4 = arith.constant 1 : index
    %get3A_5 = arith.constant 0 : index
    %get3A_6 = vector.load %arg2[%get3A_4, %get3A_5] : memref<8x256xf32, #tpu.memory_space<vmem>>, vector<1x256xf32>
    %div3A_7 = arith.constant 1.310720e+05 : f32
    %div3A_8 = vector.broadcast %div3A_7 : f32 to vector<1x256xf32>
    %div3A_9 = arith.divf %get3A_6, %div3A_8 : vector<1x256xf32>
    %mul3A = arith.mulf %div3A_3, %div3A_3 : vector<1x256xf32>
    %sub3A = arith.subf %div3A_9, %mul3A : vector<1x256xf32>
    %get3A_10 = arith.constant 0 : index
    %get3A_11 = arith.constant 0 : index
    %get3A_12 = vector.load %arg3[%get3A_10, %get3A_11] : memref<1x256xf32, #tpu.memory_space<vmem>>, vector<1x256xf32>
    %add3A = arith.constant 9.99999974E-6 : f32
    %add3A_13 = vector.broadcast %add3A : f32 to vector<1x256xf32>
    %add3A_14 = arith.addf %sub3A, %add3A_13 : vector<1x256xf32>
    %sqrt3A = math.sqrt %add3A_14 : vector<1x256xf32>
    %div3A_15 = arith.divf %get3A_12, %sqrt3A : vector<1x256xf32>
    %get3A_16 = arith.constant 0 : index
    %get3A_17 = arith.constant 0 : index
    %get3A_18 = vector.load %arg4[%get3A_16, %get3A_17] : memref<1x256xf32, #tpu.memory_space<vmem>>, vector<1x256xf32>
    %mul3A_19 = arith.mulf %div3A_3, %div3A_15 : vector<1x256xf32>
    %sub3A_20 = arith.subf %get3A_18, %mul3A_19 : vector<1x256xf32>
    %get3A_21 = arith.constant 0 : index
    %get3A_22 = arith.constant 0 : index
    %get3A_23 = arith.constant 0 : index
    %get3A_24 = vector.load %arg1[%get3A_21, %get3A_22, %get3A_23] : memref<128x32x256xbf16, #tpu.memory_space<vmem>>, vector<128x32x256xbf16>
    %convert_element_type3A = arith.extf %get3A_24 : vector<128x32x256xbf16> to vector<128x32x256xf32>
    %reshape3A = vector.shape_cast %div3A_15 : vector<1x256xf32> to vector<1x1x256xf32>
    %mul3A_25 = vector.broadcast %reshape3A : vector<1x1x256xf32> to vector<128x32x256xf32>
    %mul3A_26 = arith.mulf %convert_element_type3A, %mul3A_25 : vector<128x32x256xf32>
    %reshape3A_27 = vector.shape_cast %sub3A_20 : vector<1x256xf32> to vector<1x1x256xf32>
    %add3A_28 = vector.broadcast %reshape3A_27 : vector<1x1x256xf32> to vector<128x32x256xf32>
    %add3A_29 = arith.addf %mul3A_26, %add3A_28 : vector<128x32x256xf32>
    %max3A = arith.constant 0.000000e+00 : f32
    %max3A_30 = vector.broadcast %max3A : f32 to vector<128x32x256xf32>
    %max3A_31 = arith.maximumf %add3A_29, %max3A_30 : vector<128x32x256xf32>
    %reduce_max3A = arith.constant dense<0xFF800000> : vector<128x256xf32>
    %reduce_max3A_32 = vector.multi_reduction <maximumf>, %max3A_31, %reduce_max3A [1] : vector<128x32x256xf32> to vector<128x256xf32>
    %swap3A = arith.constant 0 : index
    %swap3A_33 = arith.constant 0 : index
    %swap3A_34 = vector.load %arg5[%swap3A, %swap3A_33] : memref<128x256xf32, #tpu.memory_space<vmem>>, vector<128x256xf32>
    tpu.vector_store %arg5[%swap3A, %swap3A_33], %reduce_max3A_32 {strides = array<i32>} : memref<128x256xf32, #tpu.memory_space<vmem>>, vector<128x256xf32>,
    return
  }
  func.func @transform_0(%arg0: i32) -> (i32, i32, i32) {
    %c0_i32 = arith.constant 0 : i32
    %c0_i32_0 = arith.constant 0 : i32
    %c0_i32_1 = arith.constant 0 : i32
    return %arg0, %c0_i32, %c0_i32_0 : i32, i32, i32
  }
  func.func @transform_1(%arg0: i32) -> (i32, i32) {
    %c0_i32 = arith.constant 0 : i32
    %c0_i32_0 = arith.constant 0 : i32
    %c0_i32_1 = arith.constant 0 : i32
    return %c0_i32, %c0_i32_0 : i32, i32
  }
  func.func @transform_2(%arg0: i32) -> (i32, i32) {
    %c0_i32 = arith.constant 0 : i32
    %c0_i32_0 = arith.constant 0 : i32
    %c0_i32_1 = arith.constant 0 : i32
    return %c0_i32, %c0_i32_0 : i32, i32
  }
  func.func @transform_3(%arg0: i32) -> (i32, i32) {
    %c0_i32 = arith.constant 0 : i32
    %c0_i32_0 = arith.constant 0 : i32
    %c0_i32_1 = arith.constant 0 : i32
    return %c0_i32, %c0_i32_0 : i32, i32
  }
  func.func @transform_4(%arg0: i32) -> (i32, i32) {
    %c0_i32 = arith.constant 0 : i32
    %c0_i32_0 = arith.constant 0 : i32
    return %arg0, %c0_i32 : i32, i32
  }
}

</mosaic_0001>

<sc_bundles>
// kernel: kernel.10.cloned.1.call-start
scs
__scs_entry_jumppad:
0x0: {  	(pc) =	sbr.rel $0x88, $3  }
0x1: {  	(tag) =	ssettag $0x0;
	lr =	simm.s32 $0x1  }
0x2: {  	[smem:$0x3F93] =	sst lr;
	_ =	strace $0xD0000000  }
0x3: {  	_ = 	snop  }
0x4: {  	_ = 	snop  }
0x5: {  	_ = 	snop  }
0x6: {  	_ = 	snop  }
0x7: {  	_ = 	snop  }
__scs_overlays_trampoline_lowered:
0x8: {  	[smem:$0x3FA2] =	sst s0  }
0x9: {  	[smem:$0x3FA3] =	sst s1  }
0xa: {  	[smem:$0x3FA4] =	sst s2  }
0xb: {  	[smem:$0x3FA5] =	sst s3  }
0xc: {  	[smem:$0x3FA6] =	sst s4  }
0xd: {  	[smem:$0x3FA7] =	sst s5  }
0xe: {  	[smem:$0x3FA8] =	sst s6  }
0xf: {  	[smem:$0x3FA9] =	sst s7  }
0x10: {  	[smem:$0x3FAA] =	sst s8  }
0x11: {  	[smem:$0x3FAB] =	sst s9;
	s0 =	simm.s32 @!p0 $0x0  }
0x12: {  	s1 =	sld [smem:$0x3F91];
	s0 =	simm.s32 @p0 $0x1  }
0x13: {  	[smem:$0x3FAC] =	sst s0;
	s0 =	simm.s32 @!p1 $0x0  }
0x14: {  	s2 =	sld [smem:$0x3F90];
	s0 =	simm.s32 @p1 $0x1  }
0x15: {  	[smem:$0x3FAD] =	sst s0;
	s0 =	simm.s32 @!p2 $0x0  }
0x16: {  	s3 =	sld [smem:$0x3FDB];
	s0 =	simm.s32 @p2 $0x1  }
0x17: {  	s4 =	simm.s32 $0x1BF5;
	[smem:$0x3FAF] =	sst s0  }
0x18: {  	s0 =	sld [smem:$0x3F92];
	_ =	swait.ge [sflag:s4], $0x0  }
0x19: {  	s7 =	sld [smem:$0x3F93]  }
0x1a: {  	s8 =	sadd.s32 $0xFFFFE003, lr  }
0x1b: {  	s9 =	sadd.s32 $0xFFFFFEF7, lr;
	s5 =	simm.s32 $0xFFFFFFFF;
	p2 =	slt.u32 s8, $0xFFFFF086  }
0x1c: {  	p1 =	slt.u32 s9, $0xF7A;
	s5 =	simm.s32 @!p2 $0x0  }
0x1d: {  	s5 =	simm.s32 @p1 $0x1;
	p0 =	seq.s32 s7, s2  }
0x1e: {  	s7 =	smul.u32 @!p0 $0xF7A, s2;
	p2 =	seq.s32 @!p0 s5, $0x0  }
0x1f: {  	s9 =	smul.u32 $0xF7A, s1;
	s8 =	simm.s32 @!p0 $0x1BF5;
	p2 =	por !p2, p0  }
0x20: {  	[sflag:s8] =	ssyncset.s32 @!p0 $0xFFFFF086;
	s6 =	sadd.s32 @!p0 s3, s7;
	s7 =	simm.s32 @!p0 $0x108  }
0x21: {  	s3 =	sadd.s32 s3, s9;
	s6 =	sadd.s32 @!p0 $0x88, s6;
	s7 =	simm.s32 @p2 $0x1082  }
0x22: {  	[simem:s7], [sflag:s8] =	dma.local @!p0 [hbm:s6], $0xF7A  }
0x23: {  	s9 =	sor.u32 $0xD0000000, s2;
	s6 =	simm.s32 $0x108;
	_ =	swait.ge @!p0 [sflag:s8], $0x0  }
0x24: {  	s3 =	sadd.s32 $0x88, s3;
	s6 =	simm.s32 @!p1 $0x1082;
	[sflag:s4] =	ssyncset.s32 $0xFFFFF086  }
0x25: {  	[simem:s6], [sflag:s4] =	dma.local [hbm:s3], $0xF7A  }
0x26: {  	[smem:$0x3F93] =	sst s1;
	(tag) =	ssettag s2;
	_ =	strace s9  }
0x27: {  	s1 =	sld [smem:$0x3FA3]  }
0x28: {  	s2 =	sld [smem:$0x3FA4]  }
0x29: {  	s4 =	sld [smem:$0x3FA6]  }
0x2a: {  	p0 =	seq.s32 s5, $0x0;
	s5 =	sld [smem:$0x3FA7]  }
0x2b: {  	s6 =	sld [smem:$0x3FA8]  }
0x2c: {  	s7 =	sld [smem:$0x3FA9]  }
0x2d: {  	s3 =	simm.s32 $0x108;
	s8 =	sld [smem:$0x3FAA]  }
0x2e: {  	s3 =	simm.s32 @!p0 $0x1082;
	s9 =	sld [smem:$0x3FAB]  }
0x2f: {  	lr =	sadd.s32 s0, s3;
	s0 =	sld [smem:$0x3FA2]  }
0x30: {  	s3 =	sld [smem:$0x3FA5]  }
0x31: {  	[smem:$0x3FAE] =	sst s10  }
0x32: {  	s10 =	sld [smem:$0x3FAC];
	_ =	sdelay $0x3  }
0x33: {  	p0 =	seq.s32 s10, $0x1;
	s10 =	sld [smem:$0x3FAE];
	_ =	sdelay $0x3  }
0x34: {  	[smem:$0x3FAE] =	sst s10  }
0x35: {  	s10 =	sld [smem:$0x3FAD];
	_ =	sdelay $0x3  }
0x36: {  	p1 =	seq.s32 s10, $0x1;
	s10 =	sld [smem:$0x3FAE];
	_ =	sdelay $0x3  }
0x37: {  	[smem:$0x3FAE] =	sst s10  }
0x38: {  	s10 =	sld [smem:$0x3FAF]  }
0x39: {  	_ = 	snop;
	(pc) =	sbr.ind lr, $3  }
0x3a: {  	_ = 	snop  }
0x3b: {  	_ = 	snop  }
0x3c: {  	p2 =	seq.s32 s10, $0x1;
	s10 =	sld [smem:$0x3FAE]  }
0x3d: {  	_ =	shalt  }
0x3e: {  	_ =	shalt  }
0x3f: {  	_ =	shalt  }
0x40: {  	_ =	shalt  }
0x41: {  	_ =	shalt  }
0x42: {  	_ =	shalt  }
0x43: {  	_ =	shalt  }
0x44: {  	_ =	shalt  }
0x45: {  	_ =	shalt  }
0x46: {  	_ =	shalt  }
0x47: {  	_ =	shalt  }
0x48: {  	_ =	shalt  }
0x49: {  	_ =	shalt  }
0x4a: {  	_ =	shalt  }
0x4b: {  	_ =	shalt  }
0x4c: {  	_ =	shalt  }
0x4d: {  	_ =	shalt  }
0x4e: {  	_ =	shalt  }
0x4f: {  	_ =	shalt  }
0x50: {  	_ =	shalt  }
0x51: {  	_ =	shalt  }
0x52: {  	_ =	shalt  }
0x53: {  	_ =	shalt  }
0x54: {  	_ =	shalt  }
0x55: {  	_ =	shalt  }
0x56: {  	_ =	shalt  }
0x57: {  	_ =	shalt  }
0x58: {  	_ =	shalt  }
0x59: {  	_ =	shalt  }
0x5a: {  	_ =	shalt  }
0x5b: {  	_ =	shalt  }
0x5c: {  	_ =	shalt  }
0x5d: {  	_ =	shalt  }
0x5e: {  	_ =	shalt  }
0x5f: {  	_ =	shalt  }
0x60: {  	_ =	shalt  }
0x61: {  	_ =	shalt  }
0x62: {  	_ =	shalt  }
0x63: {  	_ =	shalt  }
0x64: {  	_ =	shalt  }
0x65: {  	_ =	shalt  }
0x66: {  	_ =	shalt  }
0x67: {  	_ =	shalt  }
0x68: {  	_ =	shalt  }
0x69: {  	_ =	shalt  }
0x6a: {  	_ =	shalt  }
0x6b: {  	_ =	shalt  }
0x6c: {  	_ =	shalt  }
0x6d: {  	_ =	shalt  }
0x6e: {  	_ =	shalt  }
0x6f: {  	_ =	shalt  }
0x70: {  	_ =	shalt  }
0x71: {  	_ =	shalt  }
0x72: {  	_ =	shalt  }
0x73: {  	_ =	shalt  }
0x74: {  	_ =	shalt  }
0x75: {  	_ =	shalt  }
0x76: {  	_ =	shalt  }
0x77: {  	_ =	shalt  }
0x78: {  	_ =	shalt  }
0x79: {  	_ =	shalt  }
0x7a: {  	_ =	shalt  }
0x7b: {  	_ =	shalt  }
0x7c: {  	_ =	shalt  }
0x7d: {  	_ =	shalt  }
0x7e: {  	_ =	shalt  }
0x7f: {  	_ =	shalt  }
0x80: {  	_ =	shalt  }
0x81: {  	_ =	shalt  }
0x82: {  	_ =	shalt  }
0x83: {  	_ =	shalt  }
0x84: {  	_ =	shalt  }
0x85: {  	_ =	shalt  }
0x86: {  	_ =	shalt  }
0x87: {  	_ =	shalt  }
.Lfunc_end0:
.L_simem_size_0:
called_computation_lowered:
.L_overlay_start_0:
0x88: {  	s2 =	sld [smem:$0x3FD9]  }
0x89: {  	s3 =	sld [smem:$0x3FFE];
	_ =	sdelay $0x1  }
0x8a: {  	s1 =	srdreg.scid  }
0x8b: {  	s0 =	sand.u32 $0x1, s1  }
0x8c: {  	s14 =	sshll.u32 s0, $0xA;
	s2 =	sadd.s32 s3, s2  }
0x8d: {  	s2 =	sadd.s32 s2, s14  }
0x8e: {  	[smem:$0x3FBA] =	sst s2  }
0x8f: {  	_ = 	snop  }
0x90: {  	s2 =	sld [smem:$0x3FD0];
	_ =	sdelay $0x2  }
0x91: {  	s15 =	simm.s32 $0xA;
	s4 =	simm.s32 $0x10  }
0x92: {  	[smem:s4], [sflag:s15] =	dma.local [hbm:s2], $0x1  }
0x93: {  	_ =	swait.eq [sflag:s15], $0x1  }
0x94: {  	[sflag:s15] =	ssyncset.done $0x0  }
0x95: {  	[sflag:s15] =	ssyncadd.s32 $0xFFFFFFFF  }
0x96: {  	s16 =	sld [smem:$0x11];
	(tm) =	ssettm $0x1  }
0x97: {  	s17 =	sld [smem:$0x3FFB];
	_ =	sdelay $0x3  }
0x98: {  	_ =	strace s17  }
0x99: {  	s3 =	sld [smem:$0x3FFC];
	_ =	sdelay $0x3  }
0x9a: {  	_ =	strace s3  }
0x9b: {  	s3 =	sld [smem:$0x3FFD];
	_ =	sdelay $0x3  }
0x9c: {  	_ =	strace s3  }
0x9d: {  	_ =	strace $0x8FFFFFFF  }
0x9e: {  	s18 =	sld [smem:$0x3FDB];
	_ =	sdelay $0x1  }
0x9f: {  	s19 =	simm.s32 $_scs_section_size  }
0xa0: {  	s5 =	simm.s32 $_size__tile_overlayer_lowered;
	s6 =	simm.s32 $_tile_overlayer_lowered  }
0xa1: {  	s22 =	simm.s32 $0x1BFF;
	s21 =	sshll.u32 s6, $0x1;
	s3 =	sadd.s32 s19, s18  }
0xa2: {  	s7 =	simm.s32 $0x0;
	s20 =	sshll.u32 s5, $0x1;
	s5 =	sadd.s32 s21, s3  }
0xa3: {  	[timem:s7], [sflag:s22] =	dma.local [hbm:s5], s20  }
0xa4: {  	_ =	swait.ge [sflag:s22], s20  }
0xa5: {  	s4 =	ssub.s32 $0x0, s20;
	[sflag:s22] =	ssyncset.done $0x0  }
0xa6: {  	[sflag:s22] =	ssyncadd.s32 s4;
	_ =	sdelay $0x1  }
0xa7: {  	s23 =	simm.s32 $0x1B8B  }
0xa8: {  	_ =	swait.ge [sflag:s23], $0x1  }
0xa9: {  	[sflag:s23] =	ssyncset.done $0x0  }
0xaa: {  	s25 =	simm.s32 $0x1B8E;
	s24 =	sld [smem:$0x3FFE];
	[sflag:s23] =	ssyncadd.s32 $0xFFFFFFFF  }
0xab: {  	s26 =	simm.s32 $execute0_lowered;
	[smem:$0x3FD2] =	sst s25  }
0xac: {  	s5 =	sshll.u32 s26, $0x1;
	_ =	strace $0x80000046;
	[dreg:$0x1] =	wrdreg $0xFFFFFFFF  }
0xad: {  	s28 =	simm.s32 $_size_execute0_lowered;
	s3 =	sadd.s32 s3, s5;
	[dreg:$0x0] =	wrdreg $0x0  }
0xae: {  	s5 =	sshll.u32 s28, $0x1;
	[dreg:$0x2] =	wrdreg s3  }
0xaf: {  	[dreg:$0x3] =	wrdreg s5  }
0xb0: {  	[dreg:$0x4] =	wrdreg $0xC0  }
0xb1: {  	_ =	task [dreg:s7], $0x5FFFF  }
0xb2: {  	[dreg:$0x1] =	wrdreg $0xFFFFFFFF  }
0xb3: {  	[dreg:$0x0] =	wrdreg $0x60  }
0xb4: {  	[dreg:$0x2] =	wrdreg s24  }
0xb5: {  	[dreg:$0x3] =	wrdreg s16  }
0xb6: {  	[dreg:$0x4] =	wrdreg $0x9  }
0xb7: {  	_ =	task.clear_ibuf [dreg:s7], $0x5FFFF;
	_ =	strace $0x90000046  }
0xb8: {  	s29 =	simm.s32 $0x9;
	_ =	strace $0x80000048  }
0xb9: {  	_ =	swait.ge [sflag:s29], $0x1  }
0xba: {  	[sflag:s29] =	ssyncadd.s32 $0xFFFFFFFF  }
0xbb: {  	_ =	strace $0x90000048  }
0xbc: {  	_ =	sfence  }
0xbd: {  	s30 =	sld [smem:$0x0];
	_ =	sdelay $0x2  }
0xbe: {  	s31 =	sshll.u32 s1, $0xD;
	s1 =	sshrl.u32 s1, $0x2  }
0xbf: {  	s3 =	sand.u32 $0x4000, s31;
	s1 =	sadd.s32 s1, s30  }
0xc0: {  	s0 =	sor.u32 s3, s0;
	s1 =	sshll.u32 s1, $0x11  }
0xc1: {  	s0 =	sor.u32 s1, s0  }
0xc2: {  	s0 =	sadd.s32 $0x8F2B, s0  }
0xc3: {  	[sflag:s0] =	ssyncadd.remote.s32 $0x1  }
0xc4: {  	_ =	sfence.sel $0xFFFF  }
0xc5: {  	[dreg:$0x0] =	wrdreg $0xFFFFFFFF;
	(pc) =	sbr.abs _section_cstart, $3  }
0xc6: {  	[dreg:$0x1] =	wrdreg $0xFFFFFFFF  }
0xc7: {  	_ =	task.clear_ibuf [dreg:s7], $0x2FFFF;
	_ =	strace $0x9FFFFFFF  }
0xc8: {  	(tm) =	ssettm $0x7FFFFFFF  }
0xc9: {  	_ =	shalt  }
tec
execute0_lowered:
.L_overlay_start_1:
0x0: {  	(tag) =	ssettag $0x1  }
0x1: {  	s4 =	rddreg [dreg:$0x0]  }
0x2: {  	s5 =	rddreg [dreg:$0x1]  }
0x3: {  	s0 =	rddreg [dreg:$0x2];
	s2 =	simm.s32 $0x0  }
0x4: {  	s1 =	stileid.u32;
	s3 =	srdreg.scid;
	s11 =	simm.s32 $0x0  }
0x5: {  	[smem:$0x7FF] =	sst s2;
	s6 =	sshll.u32 s1, $0x11;
	s7 =	sand.u32 $0x1, s3  }
0x6: {  	s3 =	sadd.s32 $0x2800, s4;
	s9 =	sshll.u32 s1, $0xA;
	_ =	strace $0x80000047  }
0x7: {  	s6 =	sadd.s32 s6, s4;
	s30 =	ssub.s32 $0x2, s7;
	s10 =	sshll.u32 s7, $0x9  }
0x8: {  	s7 =	sshll.u32 s7, $0x10;
	s8 =	sshrl.u32 s30, $0x1;
	s31 =	sor.u32 s10, s9  }
0x9: {  	s6 =	sadd.s32 s7, s6;
	s7 =	simm.s32 $0x2;
	s9 =	simm.s32 $0x1000  }
0xa: {  	s10 =	simm.s32 $0x1;
	s8 =	ssub.s32 s30, s8;
	s4 =	sadd.s32 s5, s31  }
0xb: {  	s6 =	sadd.s32 $0x82800, s6;
	s5 =	smax.u32 s8, $0x1;
	s8 =	simm.s32 $0x80  }
.LBB2_1:
0xc: {  	[tilespmem:s2], [sflag:$0x2] =	stream.linear.gather [hbm4b:s4+s2], $0x1000, $0x38;
	[tilespmem:$0x5000] =	vst v63  }
0xd: {  	_ =	swait.ge [sflag:s7], $0x1000  }
0xe: {  	[sflag:s7] =	ssyncset.done $0x0  }
0xf: {  	s12 =	simm.s32 $0x0;
	[sflag:s7] =	ssyncadd.s32 $0xFFFFF000  }
0x10: {  	[tilespmem:s9], [sflag:$0x1] =	stream.indirect.gather [hbm4b:s3+s8], $0x80, s12, s8, $0xb8;
	[tilespmem:$0x5000] =	vst v63  }
0x11: {  	_ =	swait.ge [sflag:s10], $0x4000  }
0x12: {  	[sflag:s10] =	ssyncset.done $0x0  }
0x13: {  	[sflag:s10] =	ssyncadd.s32 $0xFFFFC000  }
0x14: {  	[hbm4b:s6+s2] =	stream.linear.scatter [tilespmem:s9], [sflag:$0x2], $0x4000, $0x38;
	[tilespmem:$0x5000] =	vst v63  }
0x15: {  	s13 =	simm.s32 $0x200;
	_ =	swait.ge [sflag:s7], $0x4000  }
0x16: {  	s14 =	simm.s32 $0x400;
	s12 =	sadd.s32 $0x800, s6;
	[sflag:s7] =	ssyncset.done $0x0  }
.LBB2_2:
0x17: {  	s15 =	sshra.s32 s13, $0x2  }
0x18: {  	[sflag:s7] =	ssyncadd.s32 $0xFFFFC000;
	s13 =	smov.u32 s14;
	s16 =	sadd.s32 $0x200, s14  }
0x19: {  	[tilespmem:s9], [sflag:$0x1] =	stream.indirect.gather [hbm4b:s3+s8], $0x80, s15, s8, $0xb8;
	[tilespmem:$0x5000] =	vst v63  }
0x1a: {  	p0 =	sne.s32 s14, $0x3E00;
	_ =	swait.ge [sflag:s10], $0x4000  }
.Ltmp0:
0x1b: {  	[sflag:s10] =	ssyncset.done $0x0;
	(pc) =	sbr.rel @p0 .LBB2_2-.Ltmp0, $4  }
0x1c: {  	[sflag:s10] =	ssyncadd.s32 $0xFFFFC000  }
0x1d: {  	[hbm4b:s12+s2] =	stream.linear.scatter [tilespmem:s9], [sflag:$0x2], $0x4000, $0x38;
	[tilespmem:$0x5000] =	vst v63  }
0x1e: {  	_ =	swait.ge [sflag:s7], $0x4000  }
0x1f: {  	s14 =	smov.u32 s16;
	s12 =	sadd.s32 $0x800, s12;
	[sflag:s7] =	ssyncset.done $0x0  }
0x20: {  	s13 =	sshra.s32 s13, $0x2;
	[sflag:s7] =	ssyncadd.s32 $0xFFFFC000  }
0x21: {  	[tilespmem:s9], [sflag:$0x1] =	stream.indirect.gather [hbm4b:s3+s8], $0x80, s13, s8, $0xb8;
	[tilespmem:$0x5000] =	vst v63  }
0x22: {  	s11 =	sadd.s32 $0x1, s11;
	_ =	swait.ge [sflag:s10], $0x4000  }
0x23: {  	p0 =	sne.s32 s11, s5;
	[sflag:s10] =	ssyncset.done $0x0  }
.Ltmp1:
0x24: {  	[sflag:s10] =	ssyncadd.s32 $0xFFFFC000;
	(pc) =	sbr.rel @p0 .LBB2_1-.Ltmp1, $4  }
0x25: {  	[hbm4b:s12+s2] =	stream.linear.scatter [tilespmem:s9], [sflag:$0x2], $0x4000, $0x38;
	[tilespmem:$0x5000] =	vst v63  }
0x26: {  	_ =	swait.ge [sflag:s7], $0x4000  }
0x27: {  	[sflag:s7] =	ssyncset.done $0x0  }
0x28: {  	[sflag:s7] =	ssyncadd.s32 $0xFFFFC000  }
0x29: {  	_ =	sfence.sel $0x180000  }
0x2a: {  	[bflag:$0x0] =	sbarrier.arrive $0xFFFF  }
0x2b: {  	p0 =	sne.s32 s1, $0x0;
	_ =	strace $0x90000047  }
0x2c: {  	s0 =	sadd.s32 @!p0 $0x100000, s0;
	[bflag:$0x2] =	sbarrier.arrive $0xFFFF  }
0x2d: {  	[sflag:s0] =	ssyncadd.tile.s32 @!p0 $0x1;
	_ =	shalt  }
.Lfunc_end2:
_tile_overlayer_lowered:
.L_overlay_start_2:
0x2e: {  	(tag) =	ssettag $0x2  }
0x2f: {  	s0 =	rddreg [dreg:$0x0];
	s2 =	stileid.u32  }
0x30: {  	s1 =	rddreg [dreg:$0x1];
	p0 =	sne.s32 s2, $0x0  }
0x31: {  	s3 =	rddreg [dreg:$0x2];
	[bflag:$0x3] =	sbarrier.arrive $0xFFFF;
	s2 =	simm.s32 @!p0 $0x1C02  }
0x32: {  	[timem:s3], [sflag:s2] =	dma.local @!p0 [hbm:s0], s1  }
0x33: {  	s0 =	simm.s32 @!p0 $0x2  }
0x34: {  	_ =	swait.ge @!p0 [sflag:s0], s1  }
0x35: {  	s1 =	ssub.s32 @!p0 $0x0, s1;
	[sflag:s0] =	ssyncset.done @!p0 $0x0  }
0x36: {  	[sflag:s0] =	ssyncadd.s32 @!p0 s1  }
0x37: {  	[bflag:$0x3] =	sbarrier.arrive $0xFFFF  }
0x38: {  	_ =	shalt  }

</sc_bundles>
